<compile_context>
chip_gen: v7x
topology: tpu7x:2x2x1
jax: 0.10.2.dev20260603
libtpu: 0.0.44.dev20260713+nightly
codegen_flags: <defaults>
</compile_context>

<pallas_src>
import functools

import jax
import jax.numpy as jnp
from jax import lax
from jax.experimental import pallas as pl
from jax.experimental.pallas import tpu as pltpu
from jax.experimental.pallas import tpu_sc as plsc

_TH2 = 0.25
_N = 100000
_B = 131072
_K = 5
_NC, _NS = 2, 16
_NW = _NC * _NS
_PT = 6272
_PH = _PT // 2
_TLAST = _N - _PT
_QT = _B // _NW
_C = 1024

_mesh = plsc.VectorSubcoreMesh(core_axis_name="c", subcore_axis_name="s")
_params = pltpu.CompilerParams(needs_layout_passes=False)


@functools.partial(
    pl.kernel,
    out_type=jax.ShapeDtypeStruct((_B,), jnp.int32),
    mesh=_mesh,
    scratch_types=[
        pltpu.VMEM((_PH * 4,), jnp.float32),
        pltpu.VMEM((_N,), jnp.float32),
        pltpu.VMEM_SHARED((_N,), jnp.float32),
        pltpu.VMEM((_C * _K,), jnp.int32),
        pltpu.VMEM((_C * _K,), jnp.float32),
        pltpu.VMEM((_C,), jnp.int32),
        pltpu.SemaphoreType.DMA,
    ],
    compiler_params=_params,
)
def _cadc(points_hbm, ind_hbm, dist_hbm, out_hbm,
          pts_v, tbl_v, tbl_sh, ind_v, dist_v, out_v, sem):
    cid = lax.axis_index("c")
    sid = lax.axis_index("s")
    wid = sid * _NC + cid
    iota = lax.iota(jnp.int32, 16)

    base = jnp.minimum(sid * _PT, _TLAST)
    for h in range(2):
        off = base + h * _PH
        pltpu.sync_copy(points_hbm.at[pl.ds(off * 4, _PH * 4)], pts_v)

        def tbody(g, carry):
            rows4 = (g * 16 + iota) * 4
            x = plsc.load_gather(pts_v, [rows4])
            y = plsc.load_gather(pts_v, [rows4 + 1])
            z = plsc.load_gather(pts_v, [rows4 + 2])
            w = plsc.load_gather(pts_v, [rows4 + 3])
            tbl_v[pl.ds(off + g * 16, 16)] = w / (x * x + y * y + z * z)
            return carry

        lax.fori_loop(0, _PH // 16, tbody, 0)
    pltpu.sync_copy(tbl_v.at[pl.ds(base, _PT)], tbl_sh.at[pl.ds(base, _PT)])
    plsc.subcore_barrier()
    pltpu.sync_copy(tbl_sh, tbl_v)

    for k in range(_QT // _C):
        qbase = wid * _QT + k * _C
        h1 = pltpu.async_copy(ind_hbm.at[pl.ds(qbase * _K, _C * _K)], ind_v,
                              sem)
        h2 = pltpu.async_copy(dist_hbm.at[pl.ds(qbase * _K, _C * _K)], dist_v,
                              sem)
        h1.wait()
        h2.wait()

        def body(g, carry):
            rows5 = (g * 16 + iota) * _K
            acc = jnp.zeros((16,), jnp.float32)
            for j in range(_K):
                idx = plsc.load_gather(ind_v, [rows5 + j])
                ki = plsc.load_gather(tbl_v, [idx])
                dd = plsc.load_gather(dist_v, [rows5 + j])
                t = ki * dd * dd
                acc = acc + t * t
            out_v[pl.ds(g * 16, 16)] = (acc * 5.0 < _TH2).astype(jnp.int32)
            return carry

        lax.fori_loop(0, _C // 16, body, 0)
        pltpu.sync_copy(out_v, out_hbm.at[pl.ds(qbase, _C)])


def kernel(points, data, dist, ind):
    del data
    return _cadc(points.reshape(-1), ind.reshape(-1), dist.reshape(-1))

# --- scband reference (transcript-rebuilt; emitter-appended) ---
"""Pipeline reference for scband-cadcsupervisor-20143396618372 (READ-ONLY COPY).

The authoritative reference and input builder live on the scoring server;
editing this copy changes nothing except your own understanding.
"""

import jax, jax.numpy as jnp
import numpy as np

TH = 0.5
N_POINTS = 100000
B = 131072

def setup_inputs(seed: int = 0) -> dict:
    key = jax.random.key(seed)
    k1, k2, k3, k4, k5 = jax.random.split(key, 5)
    # Materialize the point cloud that the torch module loads via np.fromfile(fname).reshape(-1, 4)
    pos = jax.random.normal(k1, (N_POINTS, 3), dtype=jnp.float32) * 20.0 + 1.0
    inten = jax.random.uniform(k2, (N_POINTS, 1), dtype=jnp.float32)
    points = jnp.concatenate([pos, inten], axis=1)  # [N_POINTS, 4]
    data = jax.random.normal(k3, (B, 3), dtype=jnp.float32)  # only used for device placement in torch
    dist = jax.random.uniform(k4, (B, 5), dtype=jnp.float32) * 30.0
    ind = jax.random.randint(k5, (B, 5), 0, N_POINTS)
    return {"points": points, "data": data, "dist": dist, "ind": ind}

def reference(points, data, dist, ind):
    # intensity normalized by squared range (as in torch: intensity /= sq_dist)
    intensity = points[:, 3] / jnp.sum(points[:, :3] * points[:, :3], axis=1)
    # gather intensity for 5 neighbors per query (embedding-style lookup)
    ki = intensity[ind[:, :5]]
    standard_ki = ki * dist[:, :5] * dist[:, :5]
    fft = jnp.fft.fft(standard_ki, axis=1)  # norm='backward' is jnp default
    fft_norm = jnp.sqrt(jnp.sum(jnp.abs(fft) ** 2, axis=1))
    sup = jnp.where(fft_norm >= TH, 0, 1)
    return sup.reshape(-1)

if __name__ == "__main__":
    import jax
    _d = setup_inputs()
    print(jax.jit(kernel)(*tuple(_d.values())))

</pallas_src>

<mosaic_0001>
#map = affine_map<(d0, d1) -> (0)>
module attributes {stable_mosaic.version = 14 : i64} {
  func.func @_cadc(%arg0: i32, %arg1: i32, %arg2: memref<400000xf32, #tpu.memory_space<hbm>>, %arg3: memref<655360xi32, #tpu.memory_space<hbm>>, %arg4: memref<655360xf32, #tpu.memory_space<hbm>>, %arg5: memref<131072xi32, #tpu.memory_space<hbm>>, %arg6: memref<12544xf32, #tpu.memory_space<vmem>>, %arg7: memref<100000xf32, #tpu.memory_space<vmem>>, %arg8: memref<100000xf32, #tpu.memory_space<vmem_shared>>, %arg9: memref<5120xi32, #tpu.memory_space<vmem>>, %arg10: memref<5120xf32, #tpu.memory_space<vmem>>, %arg11: memref<1024xi32, #tpu.memory_space<vmem>>, %arg12: memref<!tpu.dma_semaphore, #tpu.memory_space<semaphore_mem>>) attributes {dimension_semantics = [#tpu.dimension_semantics<core_parallel>, #tpu.dimension_semantics<subcore_parallel>], iteration_bounds = array<i64: 2, 16>, scalar_prefetch = 0 : i64, scratch_operands = 7 : i64, tpu.core_type = #tpu.core_type<sc_vector_subcore>, window_params = [{transform_indices = #map}, {transform_indices = #map}, {transform_indices = #map}, {transform_indices = #map}]} {
    %mul3A = arith.constant 2 : i32
    %mul3A_0 = arith.muli %arg1, %mul3A : i32
    %add3A = arith.addi %mul3A_0, %arg0 : i32
    %iota3A = tpu.iota {dimensions = array<i32: 0>} : vector<16xi32>
    %mul3A_1 = arith.constant 6272 : i32
    %mul3A_2 = arith.muli %arg1, %mul3A_1 : i32
    %min3A = arith.constant 93728 : i32
    %min3A_3 = arith.minsi %mul3A_2, %min3A : i32
    %add3A_4 = arith.constant 0 : i32
    %add3A_5 = arith.addi %min3A_3, %add3A_4 : i32
    %mul3A_6 = arith.constant 4 : i32
    %mul3A_7 = arith.muli %add3A_5, %mul3A_6 : i32
    "tpu.region"() ({
      %run_scoped3A = tpu.sem_alloc : memref<!tpu.dma_semaphore, #tpu.memory_space<semaphore_mem>>
      %dma_start3A_109 = tpu.memref_slice %arg2[%mul3A_7] : memref<400000xf32, #tpu.memory_space<hbm>> -> memref<12544xf32, #tpu.memory_space<hbm>>
      %dma_start3A_110 = tpu.memref_slice %arg2[%mul3A_7] : memref<400000xf32, #tpu.memory_space<hbm>> -> memref<12544xf32, #tpu.memory_space<hbm>>
      tpu.enqueue_dma source(%dma_start3A_110 : memref<12544xf32, #tpu.memory_space<hbm>>) target(%arg6 : memref<12544xf32, #tpu.memory_space<vmem>>) target_semaphore(%run_scoped3A : memref<!tpu.dma_semaphore, #tpu.memory_space<semaphore_mem>>)
      %dma_wait3A_111 = tpu.memref_slice %arg2[%mul3A_7] : memref<400000xf32, #tpu.memory_space<hbm>> -> memref<12544xf32, #tpu.memory_space<hbm>>
      %dma_wait3A_112 = tpu.memref_slice %arg2[%mul3A_7] : memref<400000xf32, #tpu.memory_space<hbm>> -> memref<12544xf32, #tpu.memory_space<hbm>>
      tpu.wait_dma2 semaphore(%run_scoped3A : memref<!tpu.dma_semaphore, #tpu.memory_space<semaphore_mem>>) src(%dma_wait3A_112 : memref<12544xf32, #tpu.memory_space<hbm>>) dst(%arg6 : memref<12544xf32, #tpu.memory_space<vmem>>)
      tpu.yield
    }) : () -> ()
    %scan3A = arith.constant 0 : i32
    %scan3A_8 = arith.constant 0 : i32
    %scan3A_9 = arith.constant 196 : i32
    %scan3A_10 = arith.addi %scan3A_8, %scan3A_9 : i32
    %scan3A_11 = arith.constant 1 : i32
    scf.for %scan3A_109 = %scan3A_8 to %scan3A_10 step %scan3A_11  : i32 {
      %mul3A_110 = arith.constant 16 : i32
      %mul3A_111 = arith.muli %scan3A_109, %mul3A_110 : i32
      %add3A_112 = vector.broadcast %mul3A_111 : i32 to vector<16xi32>
      %add3A_113 = arith.addi %add3A_112, %iota3A : vector<16xi32>
      %mul3A_114 = arith.constant 4 : i32
      %mul3A_115 = vector.broadcast %mul3A_114 : i32 to vector<16xi32>
      %mul3A_116 = arith.muli %add3A_113, %mul3A_115 : vector<16xi32>
      %gather3A = tpu.vector_load_idx %arg6[%mul3A_116] : memref<12544xf32, #tpu.memory_space<vmem>>[vector<16xi32>], vector<16xf32>,
      %add3A_117 = arith.constant 1 : i32
      %add3A_118 = vector.broadcast %add3A_117 : i32 to vector<16xi32>
      %add3A_119 = arith.addi %mul3A_116, %add3A_118 : vector<16xi32>
      %gather3A_120 = tpu.vector_load_idx %arg6[%add3A_119] : memref<12544xf32, #tpu.memory_space<vmem>>[vector<16xi32>], vector<16xf32>,
      %add3A_121 = arith.constant 2 : i32
      %add3A_122 = vector.broadcast %add3A_121 : i32 to vector<16xi32>
      %add3A_123 = arith.addi %mul3A_116, %add3A_122 : vector<16xi32>
      %gather3A_124 = tpu.vector_load_idx %arg6[%add3A_123] : memref<12544xf32, #tpu.memory_space<vmem>>[vector<16xi32>], vector<16xf32>,
      %add3A_125 = arith.constant 3 : i32
      %add3A_126 = vector.broadcast %add3A_125 : i32 to vector<16xi32>
      %add3A_127 = arith.addi %mul3A_116, %add3A_126 : vector<16xi32>
      %gather3A_128 = tpu.vector_load_idx %arg6[%add3A_127] : memref<12544xf32, #tpu.memory_space<vmem>>[vector<16xi32>], vector<16xf32>,
      %mul3A_129 = arith.mulf %gather3A, %gather3A : vector<16xf32>
      %mul3A_130 = arith.mulf %gather3A_120, %gather3A_120 : vector<16xf32>
      %add3A_131 = arith.addf %mul3A_129, %mul3A_130 : vector<16xf32>
      %mul3A_132 = arith.mulf %gather3A_124, %gather3A_124 : vector<16xf32>
      %add3A_133 = arith.addf %add3A_131, %mul3A_132 : vector<16xf32>
      %div3A = arith.divf %gather3A_128, %add3A_133 : vector<16xf32>
      %mul3A_134 = arith.constant 16 : i32
      %mul3A_135 = arith.muli %scan3A_109, %mul3A_134 : i32
      %add3A_136 = arith.addi %add3A_5, %mul3A_135 : i32
      %swap3A = arith.index_cast %add3A_136 : i32 to index
      %swap3A_137 = tpu.vector_load %arg7[%swap3A] {strides = array<i32>} : memref<100000xf32, #tpu.memory_space<vmem>>, vector<16xf32>,
      tpu.vector_store %arg7[%swap3A], %div3A {strides = array<i32>} : memref<100000xf32, #tpu.memory_space<vmem>>, vector<16xf32>,
    }
    %scan3A_12 = arith.constant 196 : i32
    %add3A_13 = arith.constant 3136 : i32
    %add3A_14 = arith.addi %min3A_3, %add3A_13 : i32
    %mul3A_15 = arith.constant 4 : i32
    %mul3A_16 = arith.muli %add3A_14, %mul3A_15 : i32
    "tpu.region"() ({
      %run_scoped3A = tpu.sem_alloc : memref<!tpu.dma_semaphore, #tpu.memory_space<semaphore_mem>>
      %dma_start3A_109 = tpu.memref_slice %arg2[%mul3A_16] : memref<400000xf32, #tpu.memory_space<hbm>> -> memref<12544xf32, #tpu.memory_space<hbm>>
      %dma_start3A_110 = tpu.memref_slice %arg2[%mul3A_16] : memref<400000xf32, #tpu.memory_space<hbm>> -> memref<12544xf32, #tpu.memory_space<hbm>>
      tpu.enqueue_dma source(%dma_start3A_110 : memref<12544xf32, #tpu.memory_space<hbm>>) target(%arg6 : memref<12544xf32, #tpu.memory_space<vmem>>) target_semaphore(%run_scoped3A : memref<!tpu.dma_semaphore, #tpu.memory_space<semaphore_mem>>)
      %dma_wait3A_111 = tpu.memref_slice %arg2[%mul3A_16] : memref<400000xf32, #tpu.memory_space<hbm>> -> memref<12544xf32, #tpu.memory_space<hbm>>
      %dma_wait3A_112 = tpu.memref_slice %arg2[%mul3A_16] : memref<400000xf32, #tpu.memory_space<hbm>> -> memref<12544xf32, #tpu.memory_space<hbm>>
      tpu.wait_dma2 semaphore(%run_scoped3A : memref<!tpu.dma_semaphore, #tpu.memory_space<semaphore_mem>>) src(%dma_wait3A_112 : memref<12544xf32, #tpu.memory_space<hbm>>) dst(%arg6 : memref<12544xf32, #tpu.memory_space<vmem>>)
      tpu.yield
    }) : () -> ()
    %scan3A_17 = arith.constant 0 : i32
    %scan3A_18 = arith.constant 0 : i32
    %scan3A_19 = arith.constant 196 : i32
    %scan3A_20 = arith.addi %scan3A_18, %scan3A_19 : i32
    %scan3A_21 = arith.constant 1 : i32
    scf.for %scan3A_109 = %scan3A_18 to %scan3A_20 step %scan3A_21  : i32 {
      %mul3A_110 = arith.constant 16 : i32
      %mul3A_111 = arith.muli %scan3A_109, %mul3A_110 : i32
      %add3A_112 = vector.broadcast %mul3A_111 : i32 to vector<16xi32>
      %add3A_113 = arith.addi %add3A_112, %iota3A : vector<16xi32>
      %mul3A_114 = arith.constant 4 : i32
      %mul3A_115 = vector.broadcast %mul3A_114 : i32 to vector<16xi32>
      %mul3A_116 = arith.muli %add3A_113, %mul3A_115 : vector<16xi32>
      %gather3A = tpu.vector_load_idx %arg6[%mul3A_116] : memref<12544xf32, #tpu.memory_space<vmem>>[vector<16xi32>], vector<16xf32>,
      %add3A_117 = arith.constant 1 : i32
      %add3A_118 = vector.broadcast %add3A_117 : i32 to vector<16xi32>
      %add3A_119 = arith.addi %mul3A_116, %add3A_118 : vector<16xi32>
      %gather3A_120 = tpu.vector_load_idx %arg6[%add3A_119] : memref<12544xf32, #tpu.memory_space<vmem>>[vector<16xi32>], vector<16xf32>,
      %add3A_121 = arith.constant 2 : i32
      %add3A_122 = vector.broadcast %add3A_121 : i32 to vector<16xi32>
      %add3A_123 = arith.addi %mul3A_116, %add3A_122 : vector<16xi32>
      %gather3A_124 = tpu.vector_load_idx %arg6[%add3A_123] : memref<12544xf32, #tpu.memory_space<vmem>>[vector<16xi32>], vector<16xf32>,
      %add3A_125 = arith.constant 3 : i32
      %add3A_126 = vector.broadcast %add3A_125 : i32 to vector<16xi32>
      %add3A_127 = arith.addi %mul3A_116, %add3A_126 : vector<16xi32>
      %gather3A_128 = tpu.vector_load_idx %arg6[%add3A_127] : memref<12544xf32, #tpu.memory_space<vmem>>[vector<16xi32>], vector<16xf32>,
      %mul3A_129 = arith.mulf %gather3A, %gather3A : vector<16xf32>
      %mul3A_130 = arith.mulf %gather3A_120, %gather3A_120 : vector<16xf32>
      %add3A_131 = arith.addf %mul3A_129, %mul3A_130 : vector<16xf32>
      %mul3A_132 = arith.mulf %gather3A_124, %gather3A_124 : vector<16xf32>
      %add3A_133 = arith.addf %add3A_131, %mul3A_132 : vector<16xf32>
      %div3A = arith.divf %gather3A_128, %add3A_133 : vector<16xf32>
      %mul3A_134 = arith.constant 16 : i32
      %mul3A_135 = arith.muli %scan3A_109, %mul3A_134 : i32
      %add3A_136 = arith.addi %add3A_14, %mul3A_135 : i32
      %swap3A = arith.index_cast %add3A_136 : i32 to index
      %swap3A_137 = tpu.vector_load %arg7[%swap3A] {strides = array<i32>} : memref<100000xf32, #tpu.memory_space<vmem>>, vector<16xf32>,
      tpu.vector_store %arg7[%swap3A], %div3A {strides = array<i32>} : memref<100000xf32, #tpu.memory_space<vmem>>, vector<16xf32>,
    }
    %scan3A_22 = arith.constant 196 : i32
    "tpu.region"() ({
      %run_scoped3A = tpu.sem_alloc : memref<!tpu.dma_semaphore, #tpu.memory_space<semaphore_mem>>
      %dma_start3A_109 = tpu.memref_slice %arg7[%min3A_3] : memref<100000xf32, #tpu.memory_space<vmem>> -> memref<6272xf32, #tpu.memory_space<vmem>>
      %dma_start3A_110 = tpu.memref_slice %arg8[%min3A_3] : memref<100000xf32, #tpu.memory_space<vmem_shared>> -> memref<6272xf32, #tpu.memory_space<vmem_shared>>
      %dma_start3A_111 = tpu.memref_slice %arg8[%min3A_3] : memref<100000xf32, #tpu.memory_space<vmem_shared>> -> memref<6272xf32, #tpu.memory_space<vmem_shared>>
      %dma_start3A_112 = tpu.memref_slice %arg7[%min3A_3] : memref<100000xf32, #tpu.memory_space<vmem>> -> memref<6272xf32, #tpu.memory_space<vmem>>
      tpu.enqueue_dma source(%dma_start3A_112 : memref<6272xf32, #tpu.memory_space<vmem>>) target(%dma_start3A_111 : memref<6272xf32, #tpu.memory_space<vmem_shared>>) target_semaphore(%run_scoped3A : memref<!tpu.dma_semaphore, #tpu.memory_space<semaphore_mem>>)
      %dma_wait3A_113 = tpu.memref_slice %arg7[%min3A_3] : memref<100000xf32, #tpu.memory_space<vmem>> -> memref<6272xf32, #tpu.memory_space<vmem>>
      %dma_wait3A_114 = tpu.memref_slice %arg8[%min3A_3] : memref<100000xf32, #tpu.memory_space<vmem_shared>> -> memref<6272xf32, #tpu.memory_space<vmem_shared>>
      %dma_wait3A_115 = tpu.memref_slice %arg8[%min3A_3] : memref<100000xf32, #tpu.memory_space<vmem_shared>> -> memref<6272xf32, #tpu.memory_space<vmem_shared>>
      %dma_wait3A_116 = tpu.memref_slice %arg7[%min3A_3] : memref<100000xf32, #tpu.memory_space<vmem>> -> memref<6272xf32, #tpu.memory_space<vmem>>
      tpu.wait_dma2 semaphore(%run_scoped3A : memref<!tpu.dma_semaphore, #tpu.memory_space<semaphore_mem>>) src(%dma_wait3A_116 : memref<6272xf32, #tpu.memory_space<vmem>>) dst(%dma_wait3A_115 : memref<6272xf32, #tpu.memory_space<vmem_shared>>)
      tpu.yield
    }) : () -> ()
    %barrier3A = arith.constant 0 : index
    tpu.barrier barrier_id(%barrier3A)
    "tpu.region"() ({
      %run_scoped3A = tpu.sem_alloc : memref<!tpu.dma_semaphore, #tpu.memory_space<semaphore_mem>>
      tpu.enqueue_dma source(%arg8 : memref<100000xf32, #tpu.memory_space<vmem_shared>>) target(%arg7 : memref<100000xf32, #tpu.memory_space<vmem>>) target_semaphore(%run_scoped3A : memref<!tpu.dma_semaphore, #tpu.memory_space<semaphore_mem>>)
      tpu.wait_dma2 semaphore(%run_scoped3A : memref<!tpu.dma_semaphore, #tpu.memory_space<semaphore_mem>>) src(%arg8 : memref<100000xf32, #tpu.memory_space<vmem_shared>>) dst(%arg7 : memref<100000xf32, #tpu.memory_space<vmem>>)
      tpu.yield
    }) : () -> ()
    %mul3A_23 = arith.constant 4096 : i32
    %mul3A_24 = arith.muli %add3A, %mul3A_23 : i32
    %add3A_25 = arith.constant 0 : i32
    %add3A_26 = arith.addi %mul3A_24, %add3A_25 : i32
    %mul3A_27 = arith.constant 5 : i32
    %mul3A_28 = arith.muli %add3A_26, %mul3A_27 : i32
    %dma_start3A = tpu.memref_slice %arg3[%mul3A_28] : memref<655360xi32, #tpu.memory_space<hbm>> -> memref<5120xi32, #tpu.memory_space<hbm>>
    %dma_start3A_29 = tpu.memref_slice %arg3[%mul3A_28] : memref<655360xi32, #tpu.memory_space<hbm>> -> memref<5120xi32, #tpu.memory_space<hbm>>
    tpu.enqueue_dma source(%dma_start3A_29 : memref<5120xi32, #tpu.memory_space<hbm>>) target(%arg9 : memref<5120xi32, #tpu.memory_space<vmem>>) target_semaphore(%arg12 : memref<!tpu.dma_semaphore, #tpu.memory_space<semaphore_mem>>)
    %mul3A_30 = arith.constant 5 : i32
    %mul3A_31 = arith.muli %add3A_26, %mul3A_30 : i32
    %dma_start3A_32 = tpu.memref_slice %arg4[%mul3A_31] : memref<655360xf32, #tpu.memory_space<hbm>> -> memref<5120xf32, #tpu.memory_space<hbm>>
    %dma_start3A_33 = tpu.memref_slice %arg4[%mul3A_31] : memref<655360xf32, #tpu.memory_space<hbm>> -> memref<5120xf32, #tpu.memory_space<hbm>>
    tpu.enqueue_dma source(%dma_start3A_33 : memref<5120xf32, #tpu.memory_space<hbm>>) target(%arg10 : memref<5120xf32, #tpu.memory_space<vmem>>) target_semaphore(%arg12 : memref<!tpu.dma_semaphore, #tpu.memory_space<semaphore_mem>>)
    %dma_wait3A = tpu.memref_slice %arg3[%mul3A_28] : memref<655360xi32, #tpu.memory_space<hbm>> -> memref<5120xi32, #tpu.memory_space<hbm>>
    %dma_wait3A_34 = tpu.memref_slice %arg3[%mul3A_28] : memref<655360xi32, #tpu.memory_space<hbm>> -> memref<5120xi32, #tpu.memory_space<hbm>>
    tpu.wait_dma2 semaphore(%arg12 : memref<!tpu.dma_semaphore, #tpu.memory_space<semaphore_mem>>) src(%dma_wait3A_34 : memref<5120xi32, #tpu.memory_space<hbm>>) dst(%arg9 : memref<5120xi32, #tpu.memory_space<vmem>>)
    %dma_wait3A_35 = tpu.memref_slice %arg4[%mul3A_31] : memref<655360xf32, #tpu.memory_space<hbm>> -> memref<5120xf32, #tpu.memory_space<hbm>>
    %dma_wait3A_36 = tpu.memref_slice %arg4[%mul3A_31] : memref<655360xf32, #tpu.memory_space<hbm>> -> memref<5120xf32, #tpu.memory_space<hbm>>
    tpu.wait_dma2 semaphore(%arg12 : memref<!tpu.dma_semaphore, #tpu.memory_space<semaphore_mem>>) src(%dma_wait3A_36 : memref<5120xf32, #tpu.memory_space<hbm>>) dst(%arg10 : memref<5120xf32, #tpu.memory_space<vmem>>)
    %scan3A_37 = arith.constant 0 : i32
    %scan3A_38 = arith.constant 0 : i32
    %scan3A_39 = arith.constant 64 : i32
    %scan3A_40 = arith.addi %scan3A_38, %scan3A_39 : i32
    %scan3A_41 = arith.constant 1 : i32
    scf.for %scan3A_109 = %scan3A_38 to %scan3A_40 step %scan3A_41  : i32 {
      %mul3A_110 = arith.constant 16 : i32
      %mul3A_111 = arith.muli %scan3A_109, %mul3A_110 : i32
      %add3A_112 = vector.broadcast %mul3A_111 : i32 to vector<16xi32>
      %add3A_113 = arith.addi %add3A_112, %iota3A : vector<16xi32>
      %mul3A_114 = arith.constant 5 : i32
      %mul3A_115 = vector.broadcast %mul3A_114 : i32 to vector<16xi32>
      %mul3A_116 = arith.muli %add3A_113, %mul3A_115 : vector<16xi32>
      %broadcast_in_dim3A = arith.constant 0.000000e+00 : f32
      %broadcast_in_dim3A_117 = vector.broadcast %broadcast_in_dim3A : f32 to vector<16xf32>
      %add3A_118 = arith.constant 0 : i32
      %add3A_119 = vector.broadcast %add3A_118 : i32 to vector<16xi32>
      %add3A_120 = arith.addi %mul3A_116, %add3A_119 : vector<16xi32>
      %gather3A = tpu.vector_load_idx %arg9[%add3A_120] : memref<5120xi32, #tpu.memory_space<vmem>>[vector<16xi32>], vector<16xi32>,
      %gather3A_121 = tpu.vector_load_idx %arg7[%gather3A] : memref<100000xf32, #tpu.memory_space<vmem>>[vector<16xi32>], vector<16xf32>,
      %add3A_122 = arith.constant 0 : i32
      %add3A_123 = vector.broadcast %add3A_122 : i32 to vector<16xi32>
      %add3A_124 = arith.addi %mul3A_116, %add3A_123 : vector<16xi32>
      %gather3A_125 = tpu.vector_load_idx %arg10[%add3A_124] : memref<5120xf32, #tpu.memory_space<vmem>>[vector<16xi32>], vector<16xf32>,
      %mul3A_126 = arith.mulf %gather3A_121, %gather3A_125 : vector<16xf32>
      %mul3A_127 = arith.mulf %mul3A_126, %gather3A_125 : vector<16xf32>
      %mul3A_128 = arith.mulf %mul3A_127, %mul3A_127 : vector<16xf32>
      %add3A_129 = arith.addf %broadcast_in_dim3A_117, %mul3A_128 : vector<16xf32>
      %add3A_130 = arith.constant 1 : i32
      %add3A_131 = vector.broadcast %add3A_130 : i32 to vector<16xi32>
      %add3A_132 = arith.addi %mul3A_116, %add3A_131 : vector<16xi32>
      %gather3A_133 = tpu.vector_load_idx %arg9[%add3A_132] : memref<5120xi32, #tpu.memory_space<vmem>>[vector<16xi32>], vector<16xi32>,
      %gather3A_134 = tpu.vector_load_idx %arg7[%gather3A_133] : memref<100000xf32, #tpu.memory_space<vmem>>[vector<16xi32>], vector<16xf32>,
      %add3A_135 = arith.constant 1 : i32
      %add3A_136 = vector.broadcast %add3A_135 : i32 to vector<16xi32>
      %add3A_137 = arith.addi %mul3A_116, %add3A_136 : vector<16xi32>
      %gather3A_138 = tpu.vector_load_idx %arg10[%add3A_137] : memref<5120xf32, #tpu.memory_space<vmem>>[vector<16xi32>], vector<16xf32>,
      %mul3A_139 = arith.mulf %gather3A_134, %gather3A_138 : vector<16xf32>
      %mul3A_140 = arith.mulf %mul3A_139, %gather3A_138 : vector<16xf32>
      %mul3A_141 = arith.mulf %mul3A_140, %mul3A_140 : vector<16xf32>
      %add3A_142 = arith.addf %add3A_129, %mul3A_141 : vector<16xf32>
      %add3A_143 = arith.constant 2 : i32
      %add3A_144 = vector.broadcast %add3A_143 : i32 to vector<16xi32>
      %add3A_145 = arith.addi %mul3A_116, %add3A_144 : vector<16xi32>
      %gather3A_146 = tpu.vector_load_idx %arg9[%add3A_145] : memref<5120xi32, #tpu.memory_space<vmem>>[vector<16xi32>], vector<16xi32>,
      %gather3A_147 = tpu.vector_load_idx %arg7[%gather3A_146] : memref<100000xf32, #tpu.memory_space<vmem>>[vector<16xi32>], vector<16xf32>,
      %add3A_148 = arith.constant 2 : i32
      %add3A_149 = vector.broadcast %add3A_148 : i32 to vector<16xi32>
      %add3A_150 = arith.addi %mul3A_116, %add3A_149 : vector<16xi32>
      %gather3A_151 = tpu.vector_load_idx %arg10[%add3A_150] : memref<5120xf32, #tpu.memory_space<vmem>>[vector<16xi32>], vector<16xf32>,
      %mul3A_152 = arith.mulf %gather3A_147, %gather3A_151 : vector<16xf32>
      %mul3A_153 = arith.mulf %mul3A_152, %gather3A_151 : vector<16xf32>
      %mul3A_154 = arith.mulf %mul3A_153, %mul3A_153 : vector<16xf32>
      %add3A_155 = arith.addf %add3A_142, %mul3A_154 : vector<16xf32>
      %add3A_156 = arith.constant 3 : i32
      %add3A_157 = vector.broadcast %add3A_156 : i32 to vector<16xi32>
      %add3A_158 = arith.addi %mul3A_116, %add3A_157 : vector<16xi32>
      %gather3A_159 = tpu.vector_load_idx %arg9[%add3A_158] : memref<5120xi32, #tpu.memory_space<vmem>>[vector<16xi32>], vector<16xi32>,
      %gather3A_160 = tpu.vector_load_idx %arg7[%gather3A_159] : memref<100000xf32, #tpu.memory_space<vmem>>[vector<16xi32>], vector<16xf32>,
      %add3A_161 = arith.constant 3 : i32
      %add3A_162 = vector.broadcast %add3A_161 : i32 to vector<16xi32>
      %add3A_163 = arith.addi %mul3A_116, %add3A_162 : vector<16xi32>
      %gather3A_164 = tpu.vector_load_idx %arg10[%add3A_163] : memref<5120xf32, #tpu.memory_space<vmem>>[vector<16xi32>], vector<16xf32>,
      %mul3A_165 = arith.mulf %gather3A_160, %gather3A_164 : vector<16xf32>
      %mul3A_166 = arith.mulf %mul3A_165, %gather3A_164 : vector<16xf32>
      %mul3A_167 = arith.mulf %mul3A_166, %mul3A_166 : vector<16xf32>
      %add3A_168 = arith.addf %add3A_155, %mul3A_167 : vector<16xf32>
      %add3A_169 = arith.constant 4 : i32
      %add3A_170 = vector.broadcast %add3A_169 : i32 to vector<16xi32>
      %add3A_171 = arith.addi %mul3A_116, %add3A_170 : vector<16xi32>
      %gather3A_172 = tpu.vector_load_idx %arg9[%add3A_171] : memref<5120xi32, #tpu.memory_space<vmem>>[vector<16xi32>], vector<16xi32>,
      %gather3A_173 = tpu.vector_load_idx %arg7[%gather3A_172] : memref<100000xf32, #tpu.memory_space<vmem>>[vector<16xi32>], vector<16xf32>,
      %add3A_174 = arith.constant 4 : i32
      %add3A_175 = vector.broadcast %add3A_174 : i32 to vector<16xi32>
      %add3A_176 = arith.addi %mul3A_116, %add3A_175 : vector<16xi32>
      %gather3A_177 = tpu.vector_load_idx %arg10[%add3A_176] : memref<5120xf32, #tpu.memory_space<vmem>>[vector<16xi32>], vector<16xf32>,
      %mul3A_178 = arith.mulf %gather3A_173, %gather3A_177 : vector<16xf32>
      %mul3A_179 = arith.mulf %mul3A_178, %gather3A_177 : vector<16xf32>
      %mul3A_180 = arith.mulf %mul3A_179, %mul3A_179 : vector<16xf32>
      %add3A_181 = arith.addf %add3A_168, %mul3A_180 : vector<16xf32>
      %mul3A_182 = arith.constant 5.000000e+00 : f32
      %mul3A_183 = vector.broadcast %mul3A_182 : f32 to vector<16xf32>
      %mul3A_184 = arith.mulf %add3A_181, %mul3A_183 : vector<16xf32>
      %lt3A = arith.constant 2.500000e-01 : f32
      %lt3A_185 = vector.broadcast %lt3A : f32 to vector<16xf32>
      %lt3A_186 = arith.cmpf olt, %mul3A_184, %lt3A_185 : vector<16xf32>
      %convert_element_type3A = arith.extui %lt3A_186 : vector<16xi1> to vector<16xi32>
      %mul3A_187 = arith.constant 16 : i32
      %mul3A_188 = arith.muli %scan3A_109, %mul3A_187 : i32
      %swap3A = arith.index_cast %mul3A_188 : i32 to index
      %swap3A_189 = tpu.vector_load %arg11[%swap3A] {strides = array<i32>} : memref<1024xi32, #tpu.memory_space<vmem>>, vector<16xi32>,
      tpu.vector_store %arg11[%swap3A], %convert_element_type3A {strides = array<i32>} : memref<1024xi32, #tpu.memory_space<vmem>>, vector<16xi32>,
    }
    %scan3A_42 = arith.constant 64 : i32
    "tpu.region"() ({
      %run_scoped3A = tpu.sem_alloc : memref<!tpu.dma_semaphore, #tpu.memory_space<semaphore_mem>>
      %dma_start3A_109 = tpu.memref_slice %arg5[%add3A_26] : memref<131072xi32, #tpu.memory_space<hbm>> -> memref<1024xi32, #tpu.memory_space<hbm>>
      %dma_start3A_110 = tpu.memref_slice %arg5[%add3A_26] : memref<131072xi32, #tpu.memory_space<hbm>> -> memref<1024xi32, #tpu.memory_space<hbm>>
      tpu.enqueue_dma source(%arg11 : memref<1024xi32, #tpu.memory_space<vmem>>) target(%dma_start3A_110 : memref<1024xi32, #tpu.memory_space<hbm>>) target_semaphore(%run_scoped3A : memref<!tpu.dma_semaphore, #tpu.memory_space<semaphore_mem>>)
      %dma_wait3A_111 = tpu.memref_slice %arg5[%add3A_26] : memref<131072xi32, #tpu.memory_space<hbm>> -> memref<1024xi32, #tpu.memory_space<hbm>>
      %dma_wait3A_112 = tpu.memref_slice %arg5[%add3A_26] : memref<131072xi32, #tpu.memory_space<hbm>> -> memref<1024xi32, #tpu.memory_space<hbm>>
      tpu.wait_dma2 semaphore(%run_scoped3A : memref<!tpu.dma_semaphore, #tpu.memory_space<semaphore_mem>>) src(%arg11 : memref<1024xi32, #tpu.memory_space<vmem>>) dst(%dma_wait3A_112 : memref<1024xi32, #tpu.memory_space<hbm>>)
      tpu.yield
    }) : () -> ()
    %mul3A_43 = arith.constant 4096 : i32
    %mul3A_44 = arith.muli %add3A, %mul3A_43 : i32
    %add3A_45 = arith.constant 1024 : i32
    %add3A_46 = arith.addi %mul3A_44, %add3A_45 : i32
    %mul3A_47 = arith.constant 5 : i32
    %mul3A_48 = arith.muli %add3A_46, %mul3A_47 : i32
    %dma_start3A_49 = tpu.memref_slice %arg3[%mul3A_48] : memref<655360xi32, #tpu.memory_space<hbm>> -> memref<5120xi32, #tpu.memory_space<hbm>>
    %dma_start3A_50 = tpu.memref_slice %arg3[%mul3A_48] : memref<655360xi32, #tpu.memory_space<hbm>> -> memref<5120xi32, #tpu.memory_space<hbm>>
    tpu.enqueue_dma source(%dma_start3A_50 : memref<5120xi32, #tpu.memory_space<hbm>>) target(%arg9 : memref<5120xi32, #tpu.memory_space<vmem>>) target_semaphore(%arg12 : memref<!tpu.dma_semaphore, #tpu.memory_space<semaphore_mem>>)
    %mul3A_51 = arith.constant 5 : i32
    %mul3A_52 = arith.muli %add3A_46, %mul3A_51 : i32
    %dma_start3A_53 = tpu.memref_slice %arg4[%mul3A_52] : memref<655360xf32, #tpu.memory_space<hbm>> -> memref<5120xf32, #tpu.memory_space<hbm>>
    %dma_start3A_54 = tpu.memref_slice %arg4[%mul3A_52] : memref<655360xf32, #tpu.memory_space<hbm>> -> memref<5120xf32, #tpu.memory_space<hbm>>
    tpu.enqueue_dma source(%dma_start3A_54 : memref<5120xf32, #tpu.memory_space<hbm>>) target(%arg10 : memref<5120xf32, #tpu.memory_space<vmem>>) target_semaphore(%arg12 : memref<!tpu.dma_semaphore, #tpu.memory_space<semaphore_mem>>)
    %dma_wait3A_55 = tpu.memref_slice %arg3[%mul3A_48] : memref<655360xi32, #tpu.memory_space<hbm>> -> memref<5120xi32, #tpu.memory_space<hbm>>
    %dma_wait3A_56 = tpu.memref_slice %arg3[%mul3A_48] : memref<655360xi32, #tpu.memory_space<hbm>> -> memref<5120xi32, #tpu.memory_space<hbm>>
    tpu.wait_dma2 semaphore(%arg12 : memref<!tpu.dma_semaphore, #tpu.memory_space<semaphore_mem>>) src(%dma_wait3A_56 : memref<5120xi32, #tpu.memory_space<hbm>>) dst(%arg9 : memref<5120xi32, #tpu.memory_space<vmem>>)
    %dma_wait3A_57 = tpu.memref_slice %arg4[%mul3A_52] : memref<655360xf32, #tpu.memory_space<hbm>> -> memref<5120xf32, #tpu.memory_space<hbm>>
    %dma_wait3A_58 = tpu.memref_slice %arg4[%mul3A_52] : memref<655360xf32, #tpu.memory_space<hbm>> -> memref<5120xf32, #tpu.memory_space<hbm>>
    tpu.wait_dma2 semaphore(%arg12 : memref<!tpu.dma_semaphore, #tpu.memory_space<semaphore_mem>>) src(%dma_wait3A_58 : memref<5120xf32, #tpu.memory_space<hbm>>) dst(%arg10 : memref<5120xf32, #tpu.memory_space<vmem>>)
    %scan3A_59 = arith.constant 0 : i32
    %scan3A_60 = arith.constant 0 : i32
    %scan3A_61 = arith.constant 64 : i32
    %scan3A_62 = arith.addi %scan3A_60, %scan3A_61 : i32
    %scan3A_63 = arith.constant 1 : i32
    scf.for %scan3A_109 = %scan3A_60 to %scan3A_62 step %scan3A_63  : i32 {
      %mul3A_110 = arith.constant 16 : i32
      %mul3A_111 = arith.muli %scan3A_109, %mul3A_110 : i32
      %add3A_112 = vector.broadcast %mul3A_111 : i32 to vector<16xi32>
      %add3A_113 = arith.addi %add3A_112, %iota3A : vector<16xi32>
      %mul3A_114 = arith.constant 5 : i32
      %mul3A_115 = vector.broadcast %mul3A_114 : i32 to vector<16xi32>
      %mul3A_116 = arith.muli %add3A_113, %mul3A_115 : vector<16xi32>
      %broadcast_in_dim3A = arith.constant 0.000000e+00 : f32
      %broadcast_in_dim3A_117 = vector.broadcast %broadcast_in_dim3A : f32 to vector<16xf32>
      %add3A_118 = arith.constant 0 : i32
      %add3A_119 = vector.broadcast %add3A_118 : i32 to vector<16xi32>
      %add3A_120 = arith.addi %mul3A_116, %add3A_119 : vector<16xi32>
      %gather3A = tpu.vector_load_idx %arg9[%add3A_120] : memref<5120xi32, #tpu.memory_space<vmem>>[vector<16xi32>], vector<16xi32>,
      %gather3A_121 = tpu.vector_load_idx %arg7[%gather3A] : memref<100000xf32, #tpu.memory_space<vmem>>[vector<16xi32>], vector<16xf32>,
      %add3A_122 = arith.constant 0 : i32
      %add3A_123 = vector.broadcast %add3A_122 : i32 to vector<16xi32>
      %add3A_124 = arith.addi %mul3A_116, %add3A_123 : vector<16xi32>
      %gather3A_125 = tpu.vector_load_idx %arg10[%add3A_124] : memref<5120xf32, #tpu.memory_space<vmem>>[vector<16xi32>], vector<16xf32>,
      %mul3A_126 = arith.mulf %gather3A_121, %gather3A_125 : vector<16xf32>
      %mul3A_127 = arith.mulf %mul3A_126, %gather3A_125 : vector<16xf32>
      %mul3A_128 = arith.mulf %mul3A_127, %mul3A_127 : vector<16xf32>
      %add3A_129 = arith.addf %broadcast_in_dim3A_117, %mul3A_128 : vector<16xf32>
      %add3A_130 = arith.constant 1 : i32
      %add3A_131 = vector.broadcast %add3A_130 : i32 to vector<16xi32>
      %add3A_132 = arith.addi %mul3A_116, %add3A_131 : vector<16xi32>
      %gather3A_133 = tpu.vector_load_idx %arg9[%add3A_132] : memref<5120xi32, #tpu.memory_space<vmem>>[vector<16xi32>], vector<16xi32>,
      %gather3A_134 = tpu.vector_load_idx %arg7[%gather3A_133] : memref<100000xf32, #tpu.memory_space<vmem>>[vector<16xi32>], vector<16xf32>,
      %add3A_135 = arith.constant 1 : i32
      %add3A_136 = vector.broadcast %add3A_135 : i32 to vector<16xi32>
      %add3A_137 = arith.addi %mul3A_116, %add3A_136 : vector<16xi32>
      %gather3A_138 = tpu.vector_load_idx %arg10[%add3A_137] : memref<5120xf32, #tpu.memory_space<vmem>>[vector<16xi32>], vector<16xf32>,
      %mul3A_139 = arith.mulf %gather3A_134, %gather3A_138 : vector<16xf32>
      %mul3A_140 = arith.mulf %mul3A_139, %gather3A_138 : vector<16xf32>
      %mul3A_141 = arith.mulf %mul3A_140, %mul3A_140 : vector<16xf32>
      %add3A_142 = arith.addf %add3A_129, %mul3A_141 : vector<16xf32>
      %add3A_143 = arith.constant 2 : i32
      %add3A_144 = vector.broadcast %add3A_143 : i32 to vector<16xi32>
      %add3A_145 = arith.addi %mul3A_116, %add3A_144 : vector<16xi32>
      %gather3A_146 = tpu.vector_load_idx %arg9[%add3A_145] : memref<5120xi32, #tpu.memory_space<vmem>>[vector<16xi32>], vector<16xi32>,
      %gather3A_147 = tpu.vector_load_idx %arg7[%gather3A_146] : memref<100000xf32, #tpu.memory_space<vmem>>[vector<16xi32>], vector<16xf32>,
      %add3A_148 = arith.constant 2 : i32
      %add3A_149 = vector.broadcast %add3A_148 : i32 to vector<16xi32>
      %add3A_150 = arith.addi %mul3A_116, %add3A_149 : vector<16xi32>
      %gather3A_151 = tpu.vector_load_idx %arg10[%add3A_150] : memref<5120xf32, #tpu.memory_space<vmem>>[vector<16xi32>], vector<16xf32>,
      %mul3A_152 = arith.mulf %gather3A_147, %gather3A_151 : vector<16xf32>
      %mul3A_153 = arith.mulf %mul3A_152, %gather3A_151 : vector<16xf32>
      %mul3A_154 = arith.mulf %mul3A_153, %mul3A_153 : vector<16xf32>
      %add3A_155 = arith.addf %add3A_142, %mul3A_154 : vector<16xf32>
      %add3A_156 = arith.constant 3 : i32
      %add3A_157 = vector.broadcast %add3A_156 : i32 to vector<16xi32>
      %add3A_158 = arith.addi %mul3A_116, %add3A_157 : vector<16xi32>
      %gather3A_159 = tpu.vector_load_idx %arg9[%add3A_158] : memref<5120xi32, #tpu.memory_space<vmem>>[vector<16xi32>], vector<16xi32>,
      %gather3A_160 = tpu.vector_load_idx %arg7[%gather3A_159] : memref<100000xf32, #tpu.memory_space<vmem>>[vector<16xi32>], vector<16xf32>,
      %add3A_161 = arith.constant 3 : i32
      %add3A_162 = vector.broadcast %add3A_161 : i32 to vector<16xi32>
      %add3A_163 = arith.addi %mul3A_116, %add3A_162 : vector<16xi32>
      %gather3A_164 = tpu.vector_load_idx %arg10[%add3A_163] : memref<5120xf32, #tpu.memory_space<vmem>>[vector<16xi32>], vector<16xf32>,
      %mul3A_165 = arith.mulf %gather3A_160, %gather3A_164 : vector<16xf32>
      %mul3A_166 = arith.mulf %mul3A_165, %gather3A_164 : vector<16xf32>
      %mul3A_167 = arith.mulf %mul3A_166, %mul3A_166 : vector<16xf32>
      %add3A_168 = arith.addf %add3A_155, %mul3A_167 : vector<16xf32>
      %add3A_169 = arith.constant 4 : i32
      %add3A_170 = vector.broadcast %add3A_169 : i32 to vector<16xi32>
      %add3A_171 = arith.addi %mul3A_116, %add3A_170 : vector<16xi32>
      %gather3A_172 = tpu.vector_load_idx %arg9[%add3A_171] : memref<5120xi32, #tpu.memory_space<vmem>>[vector<16xi32>], vector<16xi32>,
      %gather3A_173 = tpu.vector_load_idx %arg7[%gather3A_172] : memref<100000xf32, #tpu.memory_space<vmem>>[vector<16xi32>], vector<16xf32>,
      %add3A_174 = arith.constant 4 : i32
      %add3A_175 = vector.broadcast %add3A_174 : i32 to vector<16xi32>
      %add3A_176 = arith.addi %mul3A_116, %add3A_175 : vector<16xi32>
      %gather3A_177 = tpu.vector_load_idx %arg10[%add3A_176] : memref<5120xf32, #tpu.memory_space<vmem>>[vector<16xi32>], vector<16xf32>,
      %mul3A_178 = arith.mulf %gather3A_173, %gather3A_177 : vector<16xf32>
      %mul3A_179 = arith.mulf %mul3A_178, %gather3A_177 : vector<16xf32>
      %mul3A_180 = arith.mulf %mul3A_179, %mul3A_179 : vector<16xf32>
      %add3A_181 = arith.addf %add3A_168, %mul3A_180 : vector<16xf32>
      %mul3A_182 = arith.constant 5.000000e+00 : f32
      %mul3A_183 = vector.broadcast %mul3A_182 : f32 to vector<16xf32>
      %mul3A_184 = arith.mulf %add3A_181, %mul3A_183 : vector<16xf32>
      %lt3A = arith.constant 2.500000e-01 : f32
      %lt3A_185 = vector.broadcast %lt3A : f32 to vector<16xf32>
      %lt3A_186 = arith.cmpf olt, %mul3A_184, %lt3A_185 : vector<16xf32>
      %convert_element_type3A = arith.extui %lt3A_186 : vector<16xi1> to vector<16xi32>
      %mul3A_187 = arith.constant 16 : i32
      %mul3A_188 = arith.muli %scan3A_109, %mul3A_187 : i32
      %swap3A = arith.index_cast %mul3A_188 : i32 to index
      %swap3A_189 = tpu.vector_load %arg11[%swap3A] {strides = array<i32>} : memref<1024xi32, #tpu.memory_space<vmem>>, vector<16xi32>,
      tpu.vector_store %arg11[%swap3A], %convert_element_type3A {strides = array<i32>} : memref<1024xi32, #tpu.memory_space<vmem>>, vector<16xi32>,
    }
    %scan3A_64 = arith.constant 64 : i32
    "tpu.region"() ({
      %run_scoped3A = tpu.sem_alloc : memref<!tpu.dma_semaphore, #tpu.memory_space<semaphore_mem>>
      %dma_start3A_109 = tpu.memref_slice %arg5[%add3A_46] : memref<131072xi32, #tpu.memory_space<hbm>> -> memref<1024xi32, #tpu.memory_space<hbm>>
      %dma_start3A_110 = tpu.memref_slice %arg5[%add3A_46] : memref<131072xi32, #tpu.memory_space<hbm>> -> memref<1024xi32, #tpu.memory_space<hbm>>
      tpu.enqueue_dma source(%arg11 : memref<1024xi32, #tpu.memory_space<vmem>>) target(%dma_start3A_110 : memref<1024xi32, #tpu.memory_space<hbm>>) target_semaphore(%run_scoped3A : memref<!tpu.dma_semaphore, #tpu.memory_space<semaphore_mem>>)
      %dma_wait3A_111 = tpu.memref_slice %arg5[%add3A_46] : memref<131072xi32, #tpu.memory_space<hbm>> -> memref<1024xi32, #tpu.memory_space<hbm>>
      %dma_wait3A_112 = tpu.memref_slice %arg5[%add3A_46] : memref<131072xi32, #tpu.memory_space<hbm>> -> memref<1024xi32, #tpu.memory_space<hbm>>
      tpu.wait_dma2 semaphore(%run_scoped3A : memref<!tpu.dma_semaphore, #tpu.memory_space<semaphore_mem>>) src(%arg11 : memref<1024xi32, #tpu.memory_space<vmem>>) dst(%dma_wait3A_112 : memref<1024xi32, #tpu.memory_space<hbm>>)
      tpu.yield
    }) : () -> ()
    %mul3A_65 = arith.constant 4096 : i32
    %mul3A_66 = arith.muli %add3A, %mul3A_65 : i32
    %add3A_67 = arith.constant 2048 : i32
    %add3A_68 = arith.addi %mul3A_66, %add3A_67 : i32
    %mul3A_69 = arith.constant 5 : i32
    %mul3A_70 = arith.muli %add3A_68, %mul3A_69 : i32
    %dma_start3A_71 = tpu.memref_slice %arg3[%mul3A_70] : memref<655360xi32, #tpu.memory_space<hbm>> -> memref<5120xi32, #tpu.memory_space<hbm>>
    %dma_start3A_72 = tpu.memref_slice %arg3[%mul3A_70] : memref<655360xi32, #tpu.memory_space<hbm>> -> memref<5120xi32, #tpu.memory_space<hbm>>
    tpu.enqueue_dma source(%dma_start3A_72 : memref<5120xi32, #tpu.memory_space<hbm>>) target(%arg9 : memref<5120xi32, #tpu.memory_space<vmem>>) target_semaphore(%arg12 : memref<!tpu.dma_semaphore, #tpu.memory_space<semaphore_mem>>)
    %mul3A_73 = arith.constant 5 : i32
    %mul3A_74 = arith.muli %add3A_68, %mul3A_73 : i32
    %dma_start3A_75 = tpu.memref_slice %arg4[%mul3A_74] : memref<655360xf32, #tpu.memory_space<hbm>> -> memref<5120xf32, #tpu.memory_space<hbm>>
    %dma_start3A_76 = tpu.memref_slice %arg4[%mul3A_74] : memref<655360xf32, #tpu.memory_space<hbm>> -> memref<5120xf32, #tpu.memory_space<hbm>>
    tpu.enqueue_dma source(%dma_start3A_76 : memref<5120xf32, #tpu.memory_space<hbm>>) target(%arg10 : memref<5120xf32, #tpu.memory_space<vmem>>) target_semaphore(%arg12 : memref<!tpu.dma_semaphore, #tpu.memory_space<semaphore_mem>>)
    %dma_wait3A_77 = tpu.memref_slice %arg3[%mul3A_70] : memref<655360xi32, #tpu.memory_space<hbm>> -> memref<5120xi32, #tpu.memory_space<hbm>>
    %dma_wait3A_78 = tpu.memref_slice %arg3[%mul3A_70] : memref<655360xi32, #tpu.memory_space<hbm>> -> memref<5120xi32, #tpu.memory_space<hbm>>
    tpu.wait_dma2 semaphore(%arg12 : memref<!tpu.dma_semaphore, #tpu.memory_space<semaphore_mem>>) src(%dma_wait3A_78 : memref<5120xi32, #tpu.memory_space<hbm>>) dst(%arg9 : memref<5120xi32, #tpu.memory_space<vmem>>)
    %dma_wait3A_79 = tpu.memref_slice %arg4[%mul3A_74] : memref<655360xf32, #tpu.memory_space<hbm>> -> memref<5120xf32, #tpu.memory_space<hbm>>
    %dma_wait3A_80 = tpu.memref_slice %arg4[%mul3A_74] : memref<655360xf32, #tpu.memory_space<hbm>> -> memref<5120xf32, #tpu.memory_space<hbm>>
    tpu.wait_dma2 semaphore(%arg12 : memref<!tpu.dma_semaphore, #tpu.memory_space<semaphore_mem>>) src(%dma_wait3A_80 : memref<5120xf32, #tpu.memory_space<hbm>>) dst(%arg10 : memref<5120xf32, #tpu.memory_space<vmem>>)
    %scan3A_81 = arith.constant 0 : i32
    %scan3A_82 = arith.constant 0 : i32
    %scan3A_83 = arith.constant 64 : i32
    %scan3A_84 = arith.addi %scan3A_82, %scan3A_83 : i32
    %scan3A_85 = arith.constant 1 : i32
    scf.for %scan3A_109 = %scan3A_82 to %scan3A_84 step %scan3A_85  : i32 {
      %mul3A_110 = arith.constant 16 : i32
      %mul3A_111 = arith.muli %scan3A_109, %mul3A_110 : i32
      %add3A_112 = vector.broadcast %mul3A_111 : i32 to vector<16xi32>
      %add3A_113 = arith.addi %add3A_112, %iota3A : vector<16xi32>
      %mul3A_114 = arith.constant 5 : i32
      %mul3A_115 = vector.broadcast %mul3A_114 : i32 to vector<16xi32>
      %mul3A_116 = arith.muli %add3A_113, %mul3A_115 : vector<16xi32>
      %broadcast_in_dim3A = arith.constant 0.000000e+00 : f32
      %broadcast_in_dim3A_117 = vector.broadcast %broadcast_in_dim3A : f32 to vector<16xf32>
      %add3A_118 = arith.constant 0 : i32
      %add3A_119 = vector.broadcast %add3A_118 : i32 to vector<16xi32>
      %add3A_120 = arith.addi %mul3A_116, %add3A_119 : vector<16xi32>
      %gather3A = tpu.vector_load_idx %arg9[%add3A_120] : memref<5120xi32, #tpu.memory_space<vmem>>[vector<16xi32>], vector<16xi32>,
      %gather3A_121 = tpu.vector_load_idx %arg7[%gather3A] : memref<100000xf32, #tpu.memory_space<vmem>>[vector<16xi32>], vector<16xf32>,
      %add3A_122 = arith.constant 0 : i32
      %add3A_123 = vector.broadcast %add3A_122 : i32 to vector<16xi32>
      %add3A_124 = arith.addi %mul3A_116, %add3A_123 : vector<16xi32>
      %gather3A_125 = tpu.vector_load_idx %arg10[%add3A_124] : memref<5120xf32, #tpu.memory_space<vmem>>[vector<16xi32>], vector<16xf32>,
      %mul3A_126 = arith.mulf %gather3A_121, %gather3A_125 : vector<16xf32>
      %mul3A_127 = arith.mulf %mul3A_126, %gather3A_125 : vector<16xf32>
      %mul3A_128 = arith.mulf %mul3A_127, %mul3A_127 : vector<16xf32>
      %add3A_129 = arith.addf %broadcast_in_dim3A_117, %mul3A_128 : vector<16xf32>
      %add3A_130 = arith.constant 1 : i32
      %add3A_131 = vector.broadcast %add3A_130 : i32 to vector<16xi32>
      %add3A_132 = arith.addi %mul3A_116, %add3A_131 : vector<16xi32>
      %gather3A_133 = tpu.vector_load_idx %arg9[%add3A_132] : memref<5120xi32, #tpu.memory_space<vmem>>[vector<16xi32>], vector<16xi32>,
      %gather3A_134 = tpu.vector_load_idx %arg7[%gather3A_133] : memref<100000xf32, #tpu.memory_space<vmem>>[vector<16xi32>], vector<16xf32>,
      %add3A_135 = arith.constant 1 : i32
      %add3A_136 = vector.broadcast %add3A_135 : i32 to vector<16xi32>
      %add3A_137 = arith.addi %mul3A_116, %add3A_136 : vector<16xi32>
      %gather3A_138 = tpu.vector_load_idx %arg10[%add3A_137] : memref<5120xf32, #tpu.memory_space<vmem>>[vector<16xi32>], vector<16xf32>,
      %mul3A_139 = arith.mulf %gather3A_134, %gather3A_138 : vector<16xf32>
      %mul3A_140 = arith.mulf %mul3A_139, %gather3A_138 : vector<16xf32>
      %mul3A_141 = arith.mulf %mul3A_140, %mul3A_140 : vector<16xf32>
      %add3A_142 = arith.addf %add3A_129, %mul3A_141 : vector<16xf32>
      %add3A_143 = arith.constant 2 : i32
      %add3A_144 = vector.broadcast %add3A_143 : i32 to vector<16xi32>
      %add3A_145 = arith.addi %mul3A_116, %add3A_144 : vector<16xi32>
      %gather3A_146 = tpu.vector_load_idx %arg9[%add3A_145] : memref<5120xi32, #tpu.memory_space<vmem>>[vector<16xi32>], vector<16xi32>,
      %gather3A_147 = tpu.vector_load_idx %arg7[%gather3A_146] : memref<100000xf32, #tpu.memory_space<vmem>>[vector<16xi32>], vector<16xf32>,
      %add3A_148 = arith.constant 2 : i32
      %add3A_149 = vector.broadcast %add3A_148 : i32 to vector<16xi32>
      %add3A_150 = arith.addi %mul3A_116, %add3A_149 : vector<16xi32>
      %gather3A_151 = tpu.vector_load_idx %arg10[%add3A_150] : memref<5120xf32, #tpu.memory_space<vmem>>[vector<16xi32>], vector<16xf32>,
      %mul3A_152 = arith.mulf %gather3A_147, %gather3A_151 : vector<16xf32>
      %mul3A_153 = arith.mulf %mul3A_152, %gather3A_151 : vector<16xf32>
      %mul3A_154 = arith.mulf %mul3A_153, %mul3A_153 : vector<16xf32>
      %add3A_155 = arith.addf %add3A_142, %mul3A_154 : vector<16xf32>
      %add3A_156 = arith.constant 3 : i32
      %add3A_157 = vector.broadcast %add3A_156 : i32 to vector<16xi32>
      %add3A_158 = arith.addi %mul3A_116, %add3A_157 : vector<16xi32>
      %gather3A_159 = tpu.vector_load_idx %arg9[%add3A_158] : memref<5120xi32, #tpu.memory_space<vmem>>[vector<16xi32>], vector<16xi32>,
      %gather3A_160 = tpu.vector_load_idx %arg7[%gather3A_159] : memref<100000xf32, #tpu.memory_space<vmem>>[vector<16xi32>], vector<16xf32>,
      %add3A_161 = arith.constant 3 : i32
      %add3A_162 = vector.broadcast %add3A_161 : i32 to vector<16xi32>
      %add3A_163 = arith.addi %mul3A_116, %add3A_162 : vector<16xi32>
      %gather3A_164 = tpu.vector_load_idx %arg10[%add3A_163] : memref<5120xf32, #tpu.memory_space<vmem>>[vector<16xi32>], vector<16xf32>,
      %mul3A_165 = arith.mulf %gather3A_160, %gather3A_164 : vector<16xf32>
      %mul3A_166 = arith.mulf %mul3A_165, %gather3A_164 : vector<16xf32>
      %mul3A_167 = arith.mulf %mul3A_166, %mul3A_166 : vector<16xf32>
      %add3A_168 = arith.addf %add3A_155, %mul3A_167 : vector<16xf32>
      %add3A_169 = arith.constant 4 : i32
      %add3A_170 = vector.broadcast %add3A_169 : i32 to vector<16xi32>
      %add3A_171 = arith.addi %mul3A_116, %add3A_170 : vector<16xi32>
      %gather3A_172 = tpu.vector_load_idx %arg9[%add3A_171] : memref<5120xi32, #tpu.memory_space<vmem>>[vector<16xi32>], vector<16xi32>,
      %gather3A_173 = tpu.vector_load_idx %arg7[%gather3A_172] : memref<100000xf32, #tpu.memory_space<vmem>>[vector<16xi32>], vector<16xf32>,
      %add3A_174 = arith.constant 4 : i32
      %add3A_175 = vector.broadcast %add3A_174 : i32 to vector<16xi32>
      %add3A_176 = arith.addi %mul3A_116, %add3A_175 : vector<16xi32>
      %gather3A_177 = tpu.vector_load_idx %arg10[%add3A_176] : memref<5120xf32, #tpu.memory_space<vmem>>[vector<16xi32>], vector<16xf32>,
      %mul3A_178 = arith.mulf %gather3A_173, %gather3A_177 : vector<16xf32>
      %mul3A_179 = arith.mulf %mul3A_178, %gather3A_177 : vector<16xf32>
      %mul3A_180 = arith.mulf %mul3A_179, %mul3A_179 : vector<16xf32>
      %add3A_181 = arith.addf %add3A_168, %mul3A_180 : vector<16xf32>
      %mul3A_182 = arith.constant 5.000000e+00 : f32
      %mul3A_183 = vector.broadcast %mul3A_182 : f32 to vector<16xf32>
      %mul3A_184 = arith.mulf %add3A_181, %mul3A_183 : vector<16xf32>
      %lt3A = arith.constant 2.500000e-01 : f32
      %lt3A_185 = vector.broadcast %lt3A : f32 to vector<16xf32>
      %lt3A_186 = arith.cmpf olt, %mul3A_184, %lt3A_185 : vector<16xf32>
      %convert_element_type3A = arith.extui %lt3A_186 : vector<16xi1> to vector<16xi32>
      %mul3A_187 = arith.constant 16 : i32
      %mul3A_188 = arith.muli %scan3A_109, %mul3A_187 : i32
      %swap3A = arith.index_cast %mul3A_188 : i32 to index
      %swap3A_189 = tpu.vector_load %arg11[%swap3A] {strides = array<i32>} : memref<1024xi32, #tpu.memory_space<vmem>>, vector<16xi32>,
      tpu.vector_store %arg11[%swap3A], %convert_element_type3A {strides = array<i32>} : memref<1024xi32, #tpu.memory_space<vmem>>, vector<16xi32>,
    }
    %scan3A_86 = arith.constant 64 : i32
    "tpu.region"() ({
      %run_scoped3A = tpu.sem_alloc : memref<!tpu.dma_semaphore, #tpu.memory_space<semaphore_mem>>
      %dma_start3A_109 = tpu.memref_slice %arg5[%add3A_68] : memref<131072xi32, #tpu.memory_space<hbm>> -> memref<1024xi32, #tpu.memory_space<hbm>>
      %dma_start3A_110 = tpu.memref_slice %arg5[%add3A_68] : memref<131072xi32, #tpu.memory_space<hbm>> -> memref<1024xi32, #tpu.memory_space<hbm>>
      tpu.enqueue_dma source(%arg11 : memref<1024xi32, #tpu.memory_space<vmem>>) target(%dma_start3A_110 : memref<1024xi32, #tpu.memory_space<hbm>>) target_semaphore(%run_scoped3A : memref<!tpu.dma_semaphore, #tpu.memory_space<semaphore_mem>>)
      %dma_wait3A_111 = tpu.memref_slice %arg5[%add3A_68] : memref<131072xi32, #tpu.memory_space<hbm>> -> memref<1024xi32, #tpu.memory_space<hbm>>
      %dma_wait3A_112 = tpu.memref_slice %arg5[%add3A_68] : memref<131072xi32, #tpu.memory_space<hbm>> -> memref<1024xi32, #tpu.memory_space<hbm>>
      tpu.wait_dma2 semaphore(%run_scoped3A : memref<!tpu.dma_semaphore, #tpu.memory_space<semaphore_mem>>) src(%arg11 : memref<1024xi32, #tpu.memory_space<vmem>>) dst(%dma_wait3A_112 : memref<1024xi32, #tpu.memory_space<hbm>>)
      tpu.yield
    }) : () -> ()
    %mul3A_87 = arith.constant 4096 : i32
    %mul3A_88 = arith.muli %add3A, %mul3A_87 : i32
    %add3A_89 = arith.constant 3072 : i32
    %add3A_90 = arith.addi %mul3A_88, %add3A_89 : i32
    %mul3A_91 = arith.constant 5 : i32
    %mul3A_92 = arith.muli %add3A_90, %mul3A_91 : i32
    %dma_start3A_93 = tpu.memref_slice %arg3[%mul3A_92] : memref<655360xi32, #tpu.memory_space<hbm>> -> memref<5120xi32, #tpu.memory_space<hbm>>
    %dma_start3A_94 = tpu.memref_slice %arg3[%mul3A_92] : memref<655360xi32, #tpu.memory_space<hbm>> -> memref<5120xi32, #tpu.memory_space<hbm>>
    tpu.enqueue_dma source(%dma_start3A_94 : memref<5120xi32, #tpu.memory_space<hbm>>) target(%arg9 : memref<5120xi32, #tpu.memory_space<vmem>>) target_semaphore(%arg12 : memref<!tpu.dma_semaphore, #tpu.memory_space<semaphore_mem>>)
    %mul3A_95 = arith.constant 5 : i32
    %mul3A_96 = arith.muli %add3A_90, %mul3A_95 : i32
    %dma_start3A_97 = tpu.memref_slice %arg4[%mul3A_96] : memref<655360xf32, #tpu.memory_space<hbm>> -> memref<5120xf32, #tpu.memory_space<hbm>>
    %dma_start3A_98 = tpu.memref_slice %arg4[%mul3A_96] : memref<655360xf32, #tpu.memory_space<hbm>> -> memref<5120xf32, #tpu.memory_space<hbm>>
    tpu.enqueue_dma source(%dma_start3A_98 : memref<5120xf32, #tpu.memory_space<hbm>>) target(%arg10 : memref<5120xf32, #tpu.memory_space<vmem>>) target_semaphore(%arg12 : memref<!tpu.dma_semaphore, #tpu.memory_space<semaphore_mem>>)
    %dma_wait3A_99 = tpu.memref_slice %arg3[%mul3A_92] : memref<655360xi32, #tpu.memory_space<hbm>> -> memref<5120xi32, #tpu.memory_space<hbm>>
    %dma_wait3A_100 = tpu.memref_slice %arg3[%mul3A_92] : memref<655360xi32, #tpu.memory_space<hbm>> -> memref<5120xi32, #tpu.memory_space<hbm>>
    tpu.wait_dma2 semaphore(%arg12 : memref<!tpu.dma_semaphore, #tpu.memory_space<semaphore_mem>>) src(%dma_wait3A_100 : memref<5120xi32, #tpu.memory_space<hbm>>) dst(%arg9 : memref<5120xi32, #tpu.memory_space<vmem>>)
    %dma_wait3A_101 = tpu.memref_slice %arg4[%mul3A_96] : memref<655360xf32, #tpu.memory_space<hbm>> -> memref<5120xf32, #tpu.memory_space<hbm>>
    %dma_wait3A_102 = tpu.memref_slice %arg4[%mul3A_96] : memref<655360xf32, #tpu.memory_space<hbm>> -> memref<5120xf32, #tpu.memory_space<hbm>>
    tpu.wait_dma2 semaphore(%arg12 : memref<!tpu.dma_semaphore, #tpu.memory_space<semaphore_mem>>) src(%dma_wait3A_102 : memref<5120xf32, #tpu.memory_space<hbm>>) dst(%arg10 : memref<5120xf32, #tpu.memory_space<vmem>>)
    %scan3A_103 = arith.constant 0 : i32
    %scan3A_104 = arith.constant 0 : i32
    %scan3A_105 = arith.constant 64 : i32
    %scan3A_106 = arith.addi %scan3A_104, %scan3A_105 : i32
    %scan3A_107 = arith.constant 1 : i32
    scf.for %scan3A_109 = %scan3A_104 to %scan3A_106 step %scan3A_107  : i32 {
      %mul3A_110 = arith.constant 16 : i32
      %mul3A_111 = arith.muli %scan3A_109, %mul3A_110 : i32
      %add3A_112 = vector.broadcast %mul3A_111 : i32 to vector<16xi32>
      %add3A_113 = arith.addi %add3A_112, %iota3A : vector<16xi32>
      %mul3A_114 = arith.constant 5 : i32
      %mul3A_115 = vector.broadcast %mul3A_114 : i32 to vector<16xi32>
      %mul3A_116 = arith.muli %add3A_113, %mul3A_115 : vector<16xi32>
      %broadcast_in_dim3A = arith.constant 0.000000e+00 : f32
      %broadcast_in_dim3A_117 = vector.broadcast %broadcast_in_dim3A : f32 to vector<16xf32>
      %add3A_118 = arith.constant 0 : i32
      %add3A_119 = vector.broadcast %add3A_118 : i32 to vector<16xi32>
      %add3A_120 = arith.addi %mul3A_116, %add3A_119 : vector<16xi32>
      %gather3A = tpu.vector_load_idx %arg9[%add3A_120] : memref<5120xi32, #tpu.memory_space<vmem>>[vector<16xi32>], vector<16xi32>,
      %gather3A_121 = tpu.vector_load_idx %arg7[%gather3A] : memref<100000xf32, #tpu.memory_space<vmem>>[vector<16xi32>], vector<16xf32>,
      %add3A_122 = arith.constant 0 : i32
      %add3A_123 = vector.broadcast %add3A_122 : i32 to vector<16xi32>
      %add3A_124 = arith.addi %mul3A_116, %add3A_123 : vector<16xi32>
      %gather3A_125 = tpu.vector_load_idx %arg10[%add3A_124] : memref<5120xf32, #tpu.memory_space<vmem>>[vector<16xi32>], vector<16xf32>,
      %mul3A_126 = arith.mulf %gather3A_121, %gather3A_125 : vector<16xf32>
      %mul3A_127 = arith.mulf %mul3A_126, %gather3A_125 : vector<16xf32>
      %mul3A_128 = arith.mulf %mul3A_127, %mul3A_127 : vector<16xf32>
      %add3A_129 = arith.addf %broadcast_in_dim3A_117, %mul3A_128 : vector<16xf32>
      %add3A_130 = arith.constant 1 : i32
      %add3A_131 = vector.broadcast %add3A_130 : i32 to vector<16xi32>
      %add3A_132 = arith.addi %mul3A_116, %add3A_131 : vector<16xi32>
      %gather3A_133 = tpu.vector_load_idx %arg9[%add3A_132] : memref<5120xi32, #tpu.memory_space<vmem>>[vector<16xi32>], vector<16xi32>,
      %gather3A_134 = tpu.vector_load_idx %arg7[%gather3A_133] : memref<100000xf32, #tpu.memory_space<vmem>>[vector<16xi32>], vector<16xf32>,
      %add3A_135 = arith.constant 1 : i32
      %add3A_136 = vector.broadcast %add3A_135 : i32 to vector<16xi32>
      %add3A_137 = arith.addi %mul3A_116, %add3A_136 : vector<16xi32>
      %gather3A_138 = tpu.vector_load_idx %arg10[%add3A_137] : memref<5120xf32, #tpu.memory_space<vmem>>[vector<16xi32>], vector<16xf32>,
      %mul3A_139 = arith.mulf %gather3A_134, %gather3A_138 : vector<16xf32>
      %mul3A_140 = arith.mulf %mul3A_139, %gather3A_138 : vector<16xf32>
      %mul3A_141 = arith.mulf %mul3A_140, %mul3A_140 : vector<16xf32>
      %add3A_142 = arith.addf %add3A_129, %mul3A_141 : vector<16xf32>
      %add3A_143 = arith.constant 2 : i32
      %add3A_144 = vector.broadcast %add3A_143 : i32 to vector<16xi32>
      %add3A_145 = arith.addi %mul3A_116, %add3A_144 : vector<16xi32>
      %gather3A_146 = tpu.vector_load_idx %arg9[%add3A_145] : memref<5120xi32, #tpu.memory_space<vmem>>[vector<16xi32>], vector<16xi32>,
      %gather3A_147 = tpu.vector_load_idx %arg7[%gather3A_146] : memref<100000xf32, #tpu.memory_space<vmem>>[vector<16xi32>], vector<16xf32>,
      %add3A_148 = arith.constant 2 : i32
      %add3A_149 = vector.broadcast %add3A_148 : i32 to vector<16xi32>
      %add3A_150 = arith.addi %mul3A_116, %add3A_149 : vector<16xi32>
      %gather3A_151 = tpu.vector_load_idx %arg10[%add3A_150] : memref<5120xf32, #tpu.memory_space<vmem>>[vector<16xi32>], vector<16xf32>,
      %mul3A_152 = arith.mulf %gather3A_147, %gather3A_151 : vector<16xf32>
      %mul3A_153 = arith.mulf %mul3A_152, %gather3A_151 : vector<16xf32>
      %mul3A_154 = arith.mulf %mul3A_153, %mul3A_153 : vector<16xf32>
      %add3A_155 = arith.addf %add3A_142, %mul3A_154 : vector<16xf32>
      %add3A_156 = arith.constant 3 : i32
      %add3A_157 = vector.broadcast %add3A_156 : i32 to vector<16xi32>
      %add3A_158 = arith.addi %mul3A_116, %add3A_157 : vector<16xi32>
      %gather3A_159 = tpu.vector_load_idx %arg9[%add3A_158] : memref<5120xi32, #tpu.memory_space<vmem>>[vector<16xi32>], vector<16xi32>,
      %gather3A_160 = tpu.vector_load_idx %arg7[%gather3A_159] : memref<100000xf32, #tpu.memory_space<vmem>>[vector<16xi32>], vector<16xf32>,
      %add3A_161 = arith.constant 3 : i32
      %add3A_162 = vector.broadcast %add3A_161 : i32 to vector<16xi32>
      %add3A_163 = arith.addi %mul3A_116, %add3A_162 : vector<16xi32>
      %gather3A_164 = tpu.vector_load_idx %arg10[%add3A_163] : memref<5120xf32, #tpu.memory_space<vmem>>[vector<16xi32>], vector<16xf32>,
      %mul3A_165 = arith.mulf %gather3A_160, %gather3A_164 : vector<16xf32>
      %mul3A_166 = arith.mulf %mul3A_165, %gather3A_164 : vector<16xf32>
      %mul3A_167 = arith.mulf %mul3A_166, %mul3A_166 : vector<16xf32>
      %add3A_168 = arith.addf %add3A_155, %mul3A_167 : vector<16xf32>
      %add3A_169 = arith.constant 4 : i32
      %add3A_170 = vector.broadcast %add3A_169 : i32 to vector<16xi32>
      %add3A_171 = arith.addi %mul3A_116, %add3A_170 : vector<16xi32>
      %gather3A_172 = tpu.vector_load_idx %arg9[%add3A_171] : memref<5120xi32, #tpu.memory_space<vmem>>[vector<16xi32>], vector<16xi32>,
      %gather3A_173 = tpu.vector_load_idx %arg7[%gather3A_172] : memref<100000xf32, #tpu.memory_space<vmem>>[vector<16xi32>], vector<16xf32>,
      %add3A_174 = arith.constant 4 : i32
      %add3A_175 = vector.broadcast %add3A_174 : i32 to vector<16xi32>
      %add3A_176 = arith.addi %mul3A_116, %add3A_175 : vector<16xi32>
      %gather3A_177 = tpu.vector_load_idx %arg10[%add3A_176] : memref<5120xf32, #tpu.memory_space<vmem>>[vector<16xi32>], vector<16xf32>,
      %mul3A_178 = arith.mulf %gather3A_173, %gather3A_177 : vector<16xf32>
      %mul3A_179 = arith.mulf %mul3A_178, %gather3A_177 : vector<16xf32>
      %mul3A_180 = arith.mulf %mul3A_179, %mul3A_179 : vector<16xf32>
      %add3A_181 = arith.addf %add3A_168, %mul3A_180 : vector<16xf32>
      %mul3A_182 = arith.constant 5.000000e+00 : f32
      %mul3A_183 = vector.broadcast %mul3A_182 : f32 to vector<16xf32>
      %mul3A_184 = arith.mulf %add3A_181, %mul3A_183 : vector<16xf32>
      %lt3A = arith.constant 2.500000e-01 : f32
      %lt3A_185 = vector.broadcast %lt3A : f32 to vector<16xf32>
      %lt3A_186 = arith.cmpf olt, %mul3A_184, %lt3A_185 : vector<16xf32>
      %convert_element_type3A = arith.extui %lt3A_186 : vector<16xi1> to vector<16xi32>
      %mul3A_187 = arith.constant 16 : i32
      %mul3A_188 = arith.muli %scan3A_109, %mul3A_187 : i32
      %swap3A = arith.index_cast %mul3A_188 : i32 to index
      %swap3A_189 = tpu.vector_load %arg11[%swap3A] {strides = array<i32>} : memref<1024xi32, #tpu.memory_space<vmem>>, vector<16xi32>,
      tpu.vector_store %arg11[%swap3A], %convert_element_type3A {strides = array<i32>} : memref<1024xi32, #tpu.memory_space<vmem>>, vector<16xi32>,
    }
    %scan3A_108 = arith.constant 64 : i32
    "tpu.region"() ({
      %run_scoped3A = tpu.sem_alloc : memref<!tpu.dma_semaphore, #tpu.memory_space<semaphore_mem>>
      %dma_start3A_109 = tpu.memref_slice %arg5[%add3A_90] : memref<131072xi32, #tpu.memory_space<hbm>> -> memref<1024xi32, #tpu.memory_space<hbm>>
      %dma_start3A_110 = tpu.memref_slice %arg5[%add3A_90] : memref<131072xi32, #tpu.memory_space<hbm>> -> memref<1024xi32, #tpu.memory_space<hbm>>
      tpu.enqueue_dma source(%arg11 : memref<1024xi32, #tpu.memory_space<vmem>>) target(%dma_start3A_110 : memref<1024xi32, #tpu.memory_space<hbm>>) target_semaphore(%run_scoped3A : memref<!tpu.dma_semaphore, #tpu.memory_space<semaphore_mem>>)
      %dma_wait3A_111 = tpu.memref_slice %arg5[%add3A_90] : memref<131072xi32, #tpu.memory_space<hbm>> -> memref<1024xi32, #tpu.memory_space<hbm>>
      %dma_wait3A_112 = tpu.memref_slice %arg5[%add3A_90] : memref<131072xi32, #tpu.memory_space<hbm>> -> memref<1024xi32, #tpu.memory_space<hbm>>
      tpu.wait_dma2 semaphore(%run_scoped3A : memref<!tpu.dma_semaphore, #tpu.memory_space<semaphore_mem>>) src(%arg11 : memref<1024xi32, #tpu.memory_space<vmem>>) dst(%dma_wait3A_112 : memref<1024xi32, #tpu.memory_space<hbm>>)
      tpu.yield
    }) : () -> ()
    return
  }
}

</mosaic_0001>

<sc_bundles>
// kernel: kernel.3.cloned.1.call-start
scs
__scs_entry_jumppad:
0x0: {  	(pc) =	sbr.rel $0x88, $3  }
0x1: {  	(tag) =	ssettag $0x0;
	lr =	simm.s32 $0x1  }
0x2: {  	[smem:$0x3F9E] =	sst lr;
	_ =	strace $0xD0000000  }
0x3: {  	_ = 	snop  }
0x4: {  	_ = 	snop  }
0x5: {  	_ = 	snop  }
0x6: {  	_ = 	snop  }
0x7: {  	_ = 	snop  }
__scs_overlays_trampoline_lowered:
0x8: {  	[smem:$0x3FAD] =	sst s0  }
0x9: {  	[smem:$0x3FAE] =	sst s1  }
0xa: {  	[smem:$0x3FAF] =	sst s2  }
0xb: {  	[smem:$0x3FB0] =	sst s3  }
0xc: {  	[smem:$0x3FB1] =	sst s4  }
0xd: {  	[smem:$0x3FB2] =	sst s5  }
0xe: {  	[smem:$0x3FB3] =	sst s6  }
0xf: {  	[smem:$0x3FB4] =	sst s7  }
0x10: {  	[smem:$0x3FB5] =	sst s8  }
0x11: {  	[smem:$0x3FB6] =	sst s9;
	s0 =	simm.s32 @!p0 $0x0  }
0x12: {  	s1 =	sld [smem:$0x3F9C];
	s0 =	simm.s32 @p0 $0x1  }
0x13: {  	[smem:$0x3FB7] =	sst s0;
	s0 =	simm.s32 @!p1 $0x0  }
0x14: {  	s2 =	sld [smem:$0x3F9B];
	s0 =	simm.s32 @p1 $0x1  }
0x15: {  	[smem:$0x3FB8] =	sst s0;
	s0 =	simm.s32 @!p2 $0x0  }
0x16: {  	s3 =	sld [smem:$0x3FDB];
	s0 =	simm.s32 @p2 $0x1  }
0x17: {  	s4 =	simm.s32 $0x1BF5;
	[smem:$0x3FBA] =	sst s0  }
0x18: {  	s0 =	sld [smem:$0x3F9D];
	_ =	swait.ge [sflag:s4], $0x0  }
0x19: {  	s7 =	sld [smem:$0x3F9E]  }
0x1a: {  	s8 =	sadd.s32 $0xFFFFE003, lr  }
0x1b: {  	s9 =	sadd.s32 $0xFFFFFEF7, lr;
	s5 =	simm.s32 $0xFFFFFFFF;
	p2 =	slt.u32 s8, $0xFFFFF086  }
0x1c: {  	p1 =	slt.u32 s9, $0xF7A;
	s5 =	simm.s32 @!p2 $0x0  }
0x1d: {  	s5 =	simm.s32 @p1 $0x1;
	p0 =	seq.s32 s7, s2  }
0x1e: {  	s7 =	smul.u32 @!p0 $0xF7A, s2;
	p2 =	seq.s32 @!p0 s5, $0x0  }
0x1f: {  	s9 =	smul.u32 $0xF7A, s1;
	s8 =	simm.s32 @!p0 $0x1BF5;
	p2 =	por !p2, p0  }
0x20: {  	[sflag:s8] =	ssyncset.s32 @!p0 $0xFFFFF086;
	s6 =	sadd.s32 @!p0 s3, s7;
	s7 =	simm.s32 @!p0 $0x108  }
0x21: {  	s3 =	sadd.s32 s3, s9;
	s6 =	sadd.s32 @!p0 $0x88, s6;
	s7 =	simm.s32 @p2 $0x1082  }
0x22: {  	[simem:s7], [sflag:s8] =	dma.local @!p0 [hbm:s6], $0xF7A  }
0x23: {  	s9 =	sor.u32 $0xD0000000, s2;
	s6 =	simm.s32 $0x108;
	_ =	swait.ge @!p0 [sflag:s8], $0x0  }
0x24: {  	s3 =	sadd.s32 $0x88, s3;
	s6 =	simm.s32 @!p1 $0x1082;
	[sflag:s4] =	ssyncset.s32 $0xFFFFF086  }
0x25: {  	[simem:s6], [sflag:s4] =	dma.local [hbm:s3], $0xF7A  }
0x26: {  	[smem:$0x3F9E] =	sst s1;
	(tag) =	ssettag s2;
	_ =	strace s9  }
0x27: {  	s1 =	sld [smem:$0x3FAE]  }
0x28: {  	s2 =	sld [smem:$0x3FAF]  }
0x29: {  	s4 =	sld [smem:$0x3FB1]  }
0x2a: {  	p0 =	seq.s32 s5, $0x0;
	s5 =	sld [smem:$0x3FB2]  }
0x2b: {  	s6 =	sld [smem:$0x3FB3]  }
0x2c: {  	s7 =	sld [smem:$0x3FB4]  }
0x2d: {  	s3 =	simm.s32 $0x108;
	s8 =	sld [smem:$0x3FB5]  }
0x2e: {  	s3 =	simm.s32 @!p0 $0x1082;
	s9 =	sld [smem:$0x3FB6]  }
0x2f: {  	lr =	sadd.s32 s0, s3;
	s0 =	sld [smem:$0x3FAD]  }
0x30: {  	s3 =	sld [smem:$0x3FB0]  }
0x31: {  	[smem:$0x3FB9] =	sst s10  }
0x32: {  	s10 =	sld [smem:$0x3FB7];
	_ =	sdelay $0x3  }
0x33: {  	p0 =	seq.s32 s10, $0x1;
	s10 =	sld [smem:$0x3FB9];
	_ =	sdelay $0x3  }
0x34: {  	[smem:$0x3FB9] =	sst s10  }
0x35: {  	s10 =	sld [smem:$0x3FB8];
	_ =	sdelay $0x3  }
0x36: {  	p1 =	seq.s32 s10, $0x1;
	s10 =	sld [smem:$0x3FB9];
	_ =	sdelay $0x3  }
0x37: {  	[smem:$0x3FB9] =	sst s10  }
0x38: {  	s10 =	sld [smem:$0x3FBA]  }
0x39: {  	_ = 	snop;
	(pc) =	sbr.ind lr, $3  }
0x3a: {  	_ = 	snop  }
0x3b: {  	_ = 	snop  }
0x3c: {  	p2 =	seq.s32 s10, $0x1;
	s10 =	sld [smem:$0x3FB9]  }
0x3d: {  	_ =	shalt  }
0x3e: {  	_ =	shalt  }
0x3f: {  	_ =	shalt  }
0x40: {  	_ =	shalt  }
0x41: {  	_ =	shalt  }
0x42: {  	_ =	shalt  }
0x43: {  	_ =	shalt  }
0x44: {  	_ =	shalt  }
0x45: {  	_ =	shalt  }
0x46: {  	_ =	shalt  }
0x47: {  	_ =	shalt  }
0x48: {  	_ =	shalt  }
0x49: {  	_ =	shalt  }
0x4a: {  	_ =	shalt  }
0x4b: {  	_ =	shalt  }
0x4c: {  	_ =	shalt  }
0x4d: {  	_ =	shalt  }
0x4e: {  	_ =	shalt  }
0x4f: {  	_ =	shalt  }
0x50: {  	_ =	shalt  }
0x51: {  	_ =	shalt  }
0x52: {  	_ =	shalt  }
0x53: {  	_ =	shalt  }
0x54: {  	_ =	shalt  }
0x55: {  	_ =	shalt  }
0x56: {  	_ =	shalt  }
0x57: {  	_ =	shalt  }
0x58: {  	_ =	shalt  }
0x59: {  	_ =	shalt  }
0x5a: {  	_ =	shalt  }
0x5b: {  	_ =	shalt  }
0x5c: {  	_ =	shalt  }
0x5d: {  	_ =	shalt  }
0x5e: {  	_ =	shalt  }
0x5f: {  	_ =	shalt  }
0x60: {  	_ =	shalt  }
0x61: {  	_ =	shalt  }
0x62: {  	_ =	shalt  }
0x63: {  	_ =	shalt  }
0x64: {  	_ =	shalt  }
0x65: {  	_ =	shalt  }
0x66: {  	_ =	shalt  }
0x67: {  	_ =	shalt  }
0x68: {  	_ =	shalt  }
0x69: {  	_ =	shalt  }
0x6a: {  	_ =	shalt  }
0x6b: {  	_ =	shalt  }
0x6c: {  	_ =	shalt  }
0x6d: {  	_ =	shalt  }
0x6e: {  	_ =	shalt  }
0x6f: {  	_ =	shalt  }
0x70: {  	_ =	shalt  }
0x71: {  	_ =	shalt  }
0x72: {  	_ =	shalt  }
0x73: {  	_ =	shalt  }
0x74: {  	_ =	shalt  }
0x75: {  	_ =	shalt  }
0x76: {  	_ =	shalt  }
0x77: {  	_ =	shalt  }
0x78: {  	_ =	shalt  }
0x79: {  	_ =	shalt  }
0x7a: {  	_ =	shalt  }
0x7b: {  	_ =	shalt  }
0x7c: {  	_ =	shalt  }
0x7d: {  	_ =	shalt  }
0x7e: {  	_ =	shalt  }
0x7f: {  	_ =	shalt  }
0x80: {  	_ =	shalt  }
0x81: {  	_ =	shalt  }
0x82: {  	_ =	shalt  }
0x83: {  	_ =	shalt  }
0x84: {  	_ =	shalt  }
0x85: {  	_ =	shalt  }
0x86: {  	_ =	shalt  }
0x87: {  	_ =	shalt  }
.Lfunc_end0:
.L_simem_size_0:
called_computation_lowered:
.L_overlay_start_0:
0x88: {  	s2 =	sld [smem:$0x3FD9]  }
0x89: {  	s3 =	sld [smem:$0x3FFE];
	_ =	sdelay $0x1  }
0x8a: {  	s1 =	srdreg.scid  }
0x8b: {  	s0 =	sand.u32 $0x1, s1  }
0x8c: {  	s17 =	sshll.u32 s0, $0xA;
	s2 =	sadd.s32 s3, s2  }
0x8d: {  	s2 =	sadd.s32 s2, s17  }
0x8e: {  	[smem:$0x3FC5] =	sst s2  }
0x8f: {  	_ = 	snop  }
0x90: {  	s2 =	sld [smem:$0x3FD0];
	(tm) =	ssettm $0x1  }
0x91: {  	s18 =	sld [smem:$0x3FFB];
	_ =	sdelay $0x3  }
0x92: {  	_ =	strace s18  }
0x93: {  	s3 =	sld [smem:$0x3FFC];
	_ =	sdelay $0x3  }
0x94: {  	_ =	strace s3  }
0x95: {  	s3 =	sld [smem:$0x3FFD];
	_ =	sdelay $0x3  }
0x96: {  	_ =	strace s3  }
0x97: {  	_ =	strace $0x8FFFFFFF  }
0x98: {  	s19 =	sld [smem:$0x3FDB];
	_ =	sdelay $0x1  }
0x99: {  	s4 =	simm.s32 $_scs_section_size  }
0x9a: {  	s5 =	simm.s32 $_size__tile_overlayer_lowered;
	s6 =	simm.s32 $_tile_overlayer_lowered  }
0x9b: {  	s22 =	simm.s32 $0x1BFF;
	s21 =	sshll.u32 s6, $0x1;
	s3 =	sadd.s32 s4, s19  }
0x9c: {  	s7 =	simm.s32 $0x0;
	s20 =	sshll.u32 s5, $0x1;
	s5 =	sadd.s32 s21, s3  }
0x9d: {  	[timem:s7], [sflag:s22] =	dma.local [hbm:s5], s20  }
0x9e: {  	_ =	swait.ge [sflag:s22], s20  }
0x9f: {  	s4 =	ssub.s32 $0x0, s20;
	[sflag:s22] =	ssyncset.done $0x0  }
0xa0: {  	[sflag:s22] =	ssyncadd.s32 s4;
	_ =	sdelay $0x1  }
0xa1: {  	s23 =	simm.s32 $0x1B8B  }
0xa2: {  	_ =	swait.ge [sflag:s23], $0x1  }
0xa3: {  	[sflag:s23] =	ssyncset.done $0x0  }
0xa4: {  	s25 =	simm.s32 $0x1B8E;
	s24 =	sld [smem:$0x3FFE];
	[sflag:s23] =	ssyncadd.s32 $0xFFFFFFFF  }
0xa5: {  	s26 =	simm.s32 $execute0_lowered;
	[smem:$0x3FD2] =	sst s25  }
0xa6: {  	s5 =	sshll.u32 s26, $0x1;
	_ =	strace $0x80000046;
	[dreg:$0x1] =	wrdreg $0xFFFFFFFF  }
0xa7: {  	s28 =	simm.s32 $_size_execute0_lowered;
	s3 =	sadd.s32 s3, s5;
	[dreg:$0x0] =	wrdreg $0x0  }
0xa8: {  	s5 =	sshll.u32 s28, $0x1;
	[dreg:$0x2] =	wrdreg s3  }
0xa9: {  	[dreg:$0x3] =	wrdreg s5  }
0xaa: {  	[dreg:$0x4] =	wrdreg $0xC0  }
0xab: {  	_ =	task [dreg:s7], $0x5FFFF  }
0xac: {  	[dreg:$0x1] =	wrdreg $0xFFFFFFFF  }
0xad: {  	[dreg:$0x0] =	wrdreg $0x60  }
0xae: {  	[dreg:$0x2] =	wrdreg s24  }
0xaf: {  	[dreg:$0x3] =	wrdreg s2  }
0xb0: {  	[dreg:$0x4] =	wrdreg $0x1B8000  }
0xb1: {  	[dreg:$0x5] =	wrdreg $0x9  }
0xb2: {  	_ =	task.clear_ibuf [dreg:s7], $0x6FFFF;
	_ =	strace $0x90000046  }
0xb3: {  	s29 =	simm.s32 $0x9;
	_ =	strace $0x80000048  }
0xb4: {  	_ =	swait.ge [sflag:s29], $0x1  }
0xb5: {  	[sflag:s29] =	ssyncadd.s32 $0xFFFFFFFF  }
0xb6: {  	_ =	strace $0x90000048  }
0xb7: {  	_ =	sfence  }
0xb8: {  	s30 =	sld [smem:$0x0];
	_ =	sdelay $0x2  }
0xb9: {  	s31 =	sshll.u32 s1, $0xD;
	s1 =	sshrl.u32 s1, $0x2  }
0xba: {  	s3 =	sand.u32 $0x4000, s31;
	s1 =	sadd.s32 s1, s30  }
0xbb: {  	s0 =	sor.u32 s3, s0;
	s1 =	sshll.u32 s1, $0x11  }
0xbc: {  	s0 =	sor.u32 s1, s0  }
0xbd: {  	s0 =	sadd.s32 $0x8F2B, s0  }
0xbe: {  	[sflag:s0] =	ssyncadd.remote.s32 $0x1  }
0xbf: {  	_ =	sfence.sel $0xFFFF  }
0xc0: {  	[dreg:$0x0] =	wrdreg $0xFFFFFFFF;
	(pc) =	sbr.abs _section_cstart, $3  }
0xc1: {  	[dreg:$0x1] =	wrdreg $0xFFFFFFFF  }
0xc2: {  	_ =	task.clear_ibuf [dreg:s7], $0x2FFFF;
	_ =	strace $0x9FFFFFFF  }
0xc3: {  	(tm) =	ssettm $0x7FFFFFFF  }
tec
execute0_lowered:
.L_overlay_start_1:
0x0: {  	(tag) =	ssettag $0x1  }
0x1: {  	s4 =	rddreg [dreg:$0x0]  }
0x2: {  	s20 =	rddreg [dreg:$0x1]  }
0x3: {  	s0 =	stileid.u32;
	s2 =	rddreg [dreg:$0x2]  }
0x4: {  	s1 =	rddreg [dreg:$0x3];
	s3 =	simm.s32 $0x0;
	s26 =	srdreg.scid  }
0x5: {  	s25 =	simm.s32 $0x1E470;
	s28 =	simm.s32 $0x1F870;
	s29 =	simm.s32 $0x0  }
0x6: {  	s5 =	smul.u32 $0x1880, s0;
	[smem:$0x7FF] =	sst s3;
	s18 =	sadd.s32 $0x200800, s4  }
0x7: {  	s19 =	sadd.s32 $0x214800, s4;
	s9 =	sshll.u32 s0, $0x1;
	_ =	strace $0x80000047  }
0x8: {  	s8 =	smin.u32 s5, $0x16E20;
	s5 =	sand.u32 $0x1, s26;
	s26 =	simm.s32 $0x1  }
0x9: {  	s6 =	sshrl.u32 s8, $0x1;
	s7 =	ssub.s32 $0x2, s5;
	s11 =	sor.u32 s5, s9  }
0xa: {  	s5 =	sadd.s32 $0x3100, s8;
	s6 =	sadd.s32 s6, s4;
	s30 =	sshrl.u32 s7, $0x1  }
0xb: {  	s14 =	sshll.u32 s11, $0xC;
	s10 =	smul.u32 $0xA00, s11;
	s11 =	sshll.u32 s11, $0x9  }
0xc: {  	s21 =	ssub.s32 s7, s30;
	s4 =	sadd.s32 $0x187200, s6;
	s6 =	sadd.s32 $0x187820, s6  }
0xd: {  	s7 =	sadd.s32 $0x3D40, s8;
	s15 =	sor.u32 $0x400, s14;
	s8 =	sadd.s32 s8, s2  }
0xe: {  	s16 =	sor.u32 $0x800, s14;
	s11 =	sadd.s32 s20, s11;
	s12 =	smul.u32 $0x5, s15  }
0xf: {  	s22 =	sor.u32 $0xC00, s14;
	s9 =	sadd.s32 s18, s10;
	s17 =	smul.u32 $0x5, s16  }
0x10: {  	s10 =	sadd.s32 s19, s10;
	s31 =	sshrl.u32 s15, $0x3;
	s23 =	smul.u32 $0x5, s22  }
0x11: {  	s24 =	sshrl.u32 s16, $0x3;
	s22 =	sshrl.u32 s22, $0x3;
	s21 =	smax.u32 s21, $0x1  }
0x12: {  	v1 =	vlaneseq.u32;
	s14 =	sadd.s32 s20, s31;
	s13 =	sshrl.u32 s12, $0x3;
	s17 =	sshrl.u32 s17, $0x3  }
0x13: {  	v0 =	vmul.u32 $0x5, v1;
	s23 =	sshrl.u32 s23, $0x3;
	s12 =	sadd.s32 s18, s13;
	s13 =	sadd.s32 s19, s13  }
0x14: {  	s15 =	sadd.s32 s18, s17;
	s16 =	sadd.s32 s19, s17;
	s17 =	sadd.s32 s20, s24  }
0x15: {  	v6 =	vimm.s32 $0x0;
	v1 =	vmul.u32 $0x4, v1;
	v2 =	vadd.s32 $0x1, v0;
	s18 =	sadd.s32 s18, s23;
	s19 =	sadd.s32 s19, s23;
	s20 =	sadd.s32 s20, s22  }
0x16: {  	v3 =	vadd.s32 $0x2, v0;
	v4 =	vadd.s32 $0x3, v0;
	v5 =	vadd.s32 $0x4, v0;
	s22 =	simm.s32 $0x2;
	s23 =	simm.s32 $0x3100;
	s24 =	simm.s32 $0x1D070  }
.LBB2_1:
0x17: {  	v7 =	vmov s3  }
0x18: {  	v7 =	vshll.u32 v7, $0x2  }
0x19: {  	v7 =	vor.u32 v1, v7  }
0x1a: {  	[tilespmem:s3], [sflag:$0x2] =	stream.linear.gather [hbm4b:s4+s3], $0x3100, $0x38;
	v8 =	vor.u32 $0x1, v7;
	[tilespmem:$0x1FC70] =	vst v63  }
0x1b: {  	_ =	swait.ge [sflag:s22], $0x3100  }
0x1c: {  	[sflag:s22] =	ssyncset.done $0x0;
	v9 =	vor.u32 $0x2, v7  }
0x1d: {  	[sflag:s22] =	ssyncadd.s32 $0xFFFFCF00  }
0x1e: {  	v10 =	vld.idx.msk [tilespmem:v7+s3+$0x0], $0xffff  }
0x1f: {  	v8 =	vld.idx.msk [tilespmem:v8+s3+$0x0], $0xffff;
	_ =	sdelay $0x1  }
0x20: {  	v9 =	vld.idx.msk [tilespmem:v9+s3+$0x0], $0xffff;
	_ =	sdelay $0x2  }
0x21: {  	v10 =	vmul.f32 v10, v10;
	v8 =	vmul.f32 v8, v8;
	_ =	sdelay $0x1  }
0x22: {  	v9 =	vmul.f32 v9, v9;
	v8 =	vadd.f32 v8, v10;
	_ =	sdelay $0x1  }
0x23: {  	v8 =	vadd.f32 v9, v8;
	_ =	sdelay $0x1  }
0x24: {  	v7 =	vor.u32 $0x3, v7;
	(erf) = vrcp.f32 v8;
	_ =	sdelay $0x4  }
0x25: {  	s30 =	simm.s32 $0x10;
	v7 =	vld.idx.msk [tilespmem:v7+s3+$0x0], $0xffff  }
0x26: {  	v8 =	vmov s30  }
0x27: {  	v8 =	vshll.u32 v8, $0x2  }
0x28: {  	v8 =	vor.u32 v1, v8  }
0x29: {  	v9 =	vor.u32 $0x1, v8;
	v10 =	vpop (erf)  }
0x2a: {  	v7 =	vmul.f32 v10, v7  }
0x2b: {  	v10 =	vor.u32 $0x2, v8  }
0x2c: {  	[tilespmem:s5+$0x0] =	vst v7  }
0x2d: {  	v7 =	vld.idx.msk [tilespmem:v8+s3+$0x0], $0xffff  }
0x2e: {  	v9 =	vld.idx.msk [tilespmem:v9+s3+$0x0], $0xffff;
	_ =	sdelay $0x1  }
0x2f: {  	v10 =	vld.idx.msk [tilespmem:v10+s3+$0x0], $0xffff;
	_ =	sdelay $0x2  }
0x30: {  	v7 =	vmul.f32 v7, v7;
	v9 =	vmul.f32 v9, v9;
	_ =	sdelay $0x1  }
0x31: {  	v7 =	vadd.f32 v9, v7;
	v9 =	vmul.f32 v10, v10;
	_ =	sdelay $0x1  }
0x32: {  	v7 =	vadd.f32 v9, v7;
	_ =	sdelay $0x1  }
0x33: {  	v8 =	vor.u32 $0x3, v8;
	(erf) = vrcp.f32 v7;
	_ =	sdelay $0x4  }
0x34: {  	s30 =	simm.s32 $0x20;
	v7 =	vld.idx.msk [tilespmem:v8+s3+$0x0], $0xffff  }
0x35: {  	s31 =	simm.s32 $0x30;
	v8 =	vmov s30;
	s30 =	smov.u32 s5  }
.LBB2_2:
0x36: {  	p0 =	sne.s32 s31, $0xC30;
	v8 =	vshll.u32 v8, $0x2  }
0x37: {  	v8 =	vor.u32 v1, v8  }
0x38: {  	v9 =	vor.u32 $0x1, v8;
	v10 =	vpop (erf)  }
0x39: {  	v7 =	vmul.f32 v10, v7  }
0x3a: {  	s30 =	sadd.s32 $0x10, s30;
	v10 =	vor.u32 $0x2, v8  }
0x3b: {  	[tilespmem:s30+$0x0] =	vst v7  }
0x3c: {  	v7 =	vld.idx.msk [tilespmem:v8+s3+$0x0], $0xffff  }
0x3d: {  	v9 =	vld.idx.msk [tilespmem:v9+s3+$0x0], $0xffff;
	_ =	sdelay $0x1  }
0x3e: {  	v10 =	vld.idx.msk [tilespmem:v10+s3+$0x0], $0xffff;
	_ =	sdelay $0x3  }
0x3f: {  	v7 =	vmul.f32 v7, v7;
	v9 =	vmul.f32 v9, v9;
	_ =	sdelay $0x1  }
0x40: {  	v7 =	vadd.f32 v9, v7;
	v9 =	vmul.f32 v10, v10;
	_ =	sdelay $0x1  }
0x41: {  	v7 =	vadd.f32 v9, v7  }
0x42: {  	v8 =	vor.u32 $0x3, v8  }
0x43: {  	(erf) = vrcp.f32 v7;
	_ =	sdelay $0x1  }
.Ltmp0:
0x44: {  	(pc) =	sbr.rel @p0 .LBB2_2-.Ltmp0, $3  }
0x45: {  	_ = 	snop  }
0x46: {  	v7 =	vld.idx.msk [tilespmem:v8+s3+$0x0], $0xffff;
	_ =	sdelay $0x1  }
0x47: {  	v8 =	vmov s31;
	s31 =	sadd.s32 $0x10, s31  }
0x48: {  	v8 =	vshll.u32 v8, $0x2  }
0x49: {  	v8 =	vor.u32 v1, v8  }
0x4a: {  	v9 =	vor.u32 $0x1, v8;
	v10 =	vpop (erf)  }
0x4b: {  	v7 =	vmul.f32 v10, v7  }
0x4c: {  	s30 =	sadd.s32 $0x10, s30;
	v10 =	vor.u32 $0x2, v8  }
0x4d: {  	[tilespmem:s30+$0x0] =	vst v7  }
0x4e: {  	v7 =	vld.idx.msk [tilespmem:v8+s3+$0x0], $0xffff  }
0x4f: {  	v9 =	vld.idx.msk [tilespmem:v9+s3+$0x0], $0xffff;
	_ =	sdelay $0x1  }
0x50: {  	v10 =	vld.idx.msk [tilespmem:v10+s3+$0x0], $0xffff;
	_ =	sdelay $0x2  }
0x51: {  	v7 =	vmul.f32 v7, v7;
	v9 =	vmul.f32 v9, v9;
	_ =	sdelay $0x1  }
0x52: {  	v7 =	vadd.f32 v9, v7;
	v9 =	vmul.f32 v10, v10;
	_ =	sdelay $0x1  }
0x53: {  	v7 =	vadd.f32 v9, v7;
	_ =	sdelay $0x1  }
0x54: {  	v8 =	vor.u32 $0x3, v8;
	(erf) = vrcp.f32 v7;
	_ =	sdelay $0x4  }
0x55: {  	v7 =	vld.idx.msk [tilespmem:v8+s3+$0x0], $0xffff;
	_ =	sdelay $0x3  }
0x56: {  	s31 =	simm.s32 $0x0;
	v8 =	vpop (erf)  }
0x57: {  	v7 =	vmul.f32 v8, v7;
	v8 =	vmov s31  }
0x58: {  	s30 =	sadd.s32 $0x10, s30;
	v8 =	vshll.u32 v8, $0x2  }
0x59: {  	[tilespmem:s30+$0x0] =	vst v7;
	v7 =	vor.u32 v1, v8  }
0x5a: {  	[tilespmem:s31], [sflag:$0x2] =	stream.linear.gather [hbm4b:s6+s31], $0x3100, $0x38;
	v8 =	vor.u32 $0x1, v7;
	[tilespmem:$0x1FC70] =	vst v63  }
0x5b: {  	_ =	swait.ge [sflag:s22], $0x3100  }
0x5c: {  	v9 =	vor.u32 $0x2, v7;
	[sflag:s22] =	ssyncset.done $0x0  }
0x5d: {  	[sflag:s22] =	ssyncadd.s32 $0xFFFFCF00  }
0x5e: {  	v10 =	vld.idx.msk [tilespmem:v7+s3+$0x0], $0xffff  }
0x5f: {  	v8 =	vld.idx.msk [tilespmem:v8+s3+$0x0], $0xffff;
	_ =	sdelay $0x1  }
0x60: {  	v9 =	vld.idx.msk [tilespmem:v9+s3+$0x0], $0xffff;
	_ =	sdelay $0x2  }
0x61: {  	v10 =	vmul.f32 v10, v10;
	v8 =	vmul.f32 v8, v8;
	_ =	sdelay $0x1  }
0x62: {  	v9 =	vmul.f32 v9, v9;
	v8 =	vadd.f32 v8, v10;
	_ =	sdelay $0x1  }
0x63: {  	v8 =	vadd.f32 v9, v8;
	_ =	sdelay $0x1  }
0x64: {  	v7 =	vor.u32 $0x3, v7;
	(erf) = vrcp.f32 v8;
	_ =	sdelay $0x4  }
0x65: {  	s30 =	simm.s32 $0x10;
	v7 =	vld.idx.msk [tilespmem:v7+s3+$0x0], $0xffff  }
0x66: {  	v8 =	vmov s30  }
0x67: {  	v8 =	vshll.u32 v8, $0x2  }
0x68: {  	v8 =	vor.u32 v1, v8  }
0x69: {  	v9 =	vor.u32 $0x1, v8;
	v10 =	vpop (erf)  }
0x6a: {  	v7 =	vmul.f32 v10, v7  }
0x6b: {  	v10 =	vor.u32 $0x2, v8  }
0x6c: {  	[tilespmem:s7+$0x0] =	vst v7  }
0x6d: {  	v7 =	vld.idx.msk [tilespmem:v8+s3+$0x0], $0xffff  }
0x6e: {  	v9 =	vld.idx.msk [tilespmem:v9+s3+$0x0], $0xffff;
	_ =	sdelay $0x1  }
0x6f: {  	v10 =	vld.idx.msk [tilespmem:v10+s3+$0x0], $0xffff;
	_ =	sdelay $0x2  }
0x70: {  	v7 =	vmul.f32 v7, v7;
	v9 =	vmul.f32 v9, v9;
	_ =	sdelay $0x1  }
0x71: {  	v7 =	vadd.f32 v9, v7;
	v9 =	vmul.f32 v10, v10;
	_ =	sdelay $0x1  }
0x72: {  	v7 =	vadd.f32 v9, v7;
	_ =	sdelay $0x1  }
0x73: {  	v8 =	vor.u32 $0x3, v8;
	(erf) = vrcp.f32 v7;
	_ =	sdelay $0x4  }
0x74: {  	s30 =	simm.s32 $0x20;
	v7 =	vld.idx.msk [tilespmem:v8+s3+$0x0], $0xffff  }
0x75: {  	s31 =	simm.s32 $0x30;
	v8 =	vmov s30;
	s30 =	smov.u32 s7  }
.LBB2_4:
0x76: {  	p0 =	sne.s32 s31, $0xC30;
	v8 =	vshll.u32 v8, $0x2  }
0x77: {  	v8 =	vor.u32 v1, v8  }
0x78: {  	v9 =	vor.u32 $0x1, v8;
	v10 =	vpop (erf)  }
0x79: {  	v7 =	vmul.f32 v10, v7  }
0x7a: {  	s30 =	sadd.s32 $0x10, s30;
	v10 =	vor.u32 $0x2, v8  }
0x7b: {  	[tilespmem:s30+$0x0] =	vst v7  }
0x7c: {  	v7 =	vld.idx.msk [tilespmem:v8+s3+$0x0], $0xffff  }
0x7d: {  	v9 =	vld.idx.msk [tilespmem:v9+s3+$0x0], $0xffff;
	_ =	sdelay $0x1  }
0x7e: {  	v10 =	vld.idx.msk [tilespmem:v10+s3+$0x0], $0xffff;
	_ =	sdelay $0x3  }
0x7f: {  	v7 =	vmul.f32 v7, v7;
	v9 =	vmul.f32 v9, v9;
	_ =	sdelay $0x1  }
0x80: {  	v7 =	vadd.f32 v9, v7;
	v9 =	vmul.f32 v10, v10;
	_ =	sdelay $0x1  }
0x81: {  	v7 =	vadd.f32 v9, v7  }
0x82: {  	v8 =	vor.u32 $0x3, v8  }
0x83: {  	(erf) = vrcp.f32 v7;
	_ =	sdelay $0x1  }
.Ltmp1:
0x84: {  	(pc) =	sbr.rel @p0 .LBB2_4-.Ltmp1, $3  }
0x85: {  	_ = 	snop  }
0x86: {  	v7 =	vld.idx.msk [tilespmem:v8+s3+$0x0], $0xffff;
	_ =	sdelay $0x1  }
0x87: {  	v8 =	vmov s31;
	s31 =	sadd.s32 $0x10, s31  }
0x88: {  	v8 =	vshll.u32 v8, $0x2  }
0x89: {  	v8 =	vor.u32 v1, v8  }
0x8a: {  	v9 =	vor.u32 $0x1, v8;
	v10 =	vpop (erf)  }
0x8b: {  	v7 =	vmul.f32 v10, v7  }
0x8c: {  	s30 =	sadd.s32 $0x10, s30;
	v10 =	vor.u32 $0x2, v8  }
0x8d: {  	[tilespmem:s30+$0x0] =	vst v7  }
0x8e: {  	v7 =	vld.idx.msk [tilespmem:v8+s3+$0x0], $0xffff  }
0x8f: {  	v9 =	vld.idx.msk [tilespmem:v9+s3+$0x0], $0xffff;
	_ =	sdelay $0x1  }
0x90: {  	v10 =	vld.idx.msk [tilespmem:v10+s3+$0x0], $0xffff;
	_ =	sdelay $0x2  }
0x91: {  	v7 =	vmul.f32 v7, v7;
	v9 =	vmul.f32 v9, v9;
	_ =	sdelay $0x1  }
0x92: {  	v7 =	vadd.f32 v9, v7;
	v9 =	vmul.f32 v10, v10;
	_ =	sdelay $0x1  }
0x93: {  	v7 =	vadd.f32 v9, v7;
	_ =	sdelay $0x1  }
0x94: {  	v8 =	vor.u32 $0x3, v8;
	(erf) = vrcp.f32 v7;
	_ =	sdelay $0x4  }
0x95: {  	v7 =	vld.idx.msk [tilespmem:v8+s3+$0x0], $0xffff;
	_ =	sdelay $0x3  }
0x96: {  	v8 =	vpop (erf)  }
0x97: {  	v7 =	vmul.f32 v8, v7  }
0x98: {  	s30 =	sadd.s32 $0x10, s30  }
0x99: {  	[tilespmem:s30+$0x0] =	vst v7  }
0x9a: {  	[spmem:s8] =	stream.linear.scatter [tilespmem:s5], [sflag:$0x2], $0x1880, $0x38;
	[tilespmem:$0x1FC70] =	vst v63  }
0x9b: {  	_ =	swait.ge [sflag:s22], $0x1880  }
0x9c: {  	[sflag:s22] =	ssyncset.done $0x0  }
0x9d: {  	[sflag:s22] =	ssyncadd.s32 $0xFFFFE780  }
0x9e: {  	[bflag:$0x0] =	sbarrier.arrive $0xFFFF  }
0x9f: {  	[tilespmem:s23], [sflag:$0x2] =	stream.linear.gather [spmem:s2], $0x18700, $0x38;
	[tilespmem:$0x1FC70] =	vst v63  }
0xa0: {  	_ =	swait.ge [sflag:s22], $0x18700  }
0xa1: {  	s30 =	simm.s32 $0x0;
	[sflag:s22] =	ssyncset.done $0x0  }
0xa2: {  	v7 =	vmov s30;
	[sflag:s22] =	ssyncadd.s32 $0xFFFE7900  }
0xa3: {  	v7 =	vmul.u32 $0x5, v7;
	[tilespmem:s24], [sflag:$0x1] =	stream.linear.gather [hbm4b:s9+s30], $0x1400, $0x38;
	[tilespmem:$0x1FC70] =	vst v63  }
0xa4: {  	_ = 	snop  }
0xa5: {  	v7 =	vbroadcast v7, $0x0;
	[tilespmem:s25], [sflag:$0x1] =	stream.linear.gather [hbm4b:s10+s30], $0x1400, $0x38;
	[tilespmem:$0x1FC70] =	vst v63  }
0xa6: {  	_ =	swait.ge [sflag:s26], $0x1400  }
0xa7: {  	v8 =	vadd.s32 v0, v7;
	[sflag:s26] =	ssyncset.done $0x0  }
0xa8: {  	v9 =	vadd.s32 v2, v7;
	[sflag:s26] =	ssyncadd.s32 $0xFFFFEC00  }
0xa9: {  	v10 =	vadd.s32 v3, v7;
	_ =	swait.ge [sflag:s26], $0x1400  }
0xaa: {  	v11 =	vadd.s32 v5, v7;
	[sflag:s26] =	ssyncset.done $0x0  }
0xab: {  	v7 =	vadd.s32 v4, v7;
	[sflag:s26] =	ssyncadd.s32 $0xFFFFEC00  }
0xac: {  	v12 =	vld.idx.msk [tilespmem:v8+s24+$0x0], $0xffff  }
0xad: {  	v13 =	vld.idx.msk [tilespmem:v9+s24+$0x0], $0xffff  }
0xae: {  	v14 =	vld.idx.msk [tilespmem:v10+s24+$0x0], $0xffff  }
0xaf: {  	v15 =	vld.idx.msk [tilespmem:v11+s24+$0x0], $0xffff  }
0xb0: {  	v16 =	vld.idx.msk [tilespmem:v7+s24+$0x0], $0xffff  }
0xb1: {  	v10 =	vld.idx.msk [tilespmem:v10+s25+$0x0], $0xffff  }
0xb2: {  	v8 =	vld.idx.msk [tilespmem:v8+s25+$0x0], $0xffff  }
0xb3: {  	v9 =	vld.idx.msk [tilespmem:v9+s25+$0x0], $0xffff  }
0xb4: {  	v12 =	vld.idx.msk [tilespmem:v12+s23+$0x0], $0xffff  }
0xb5: {  	v13 =	vld.idx.msk [tilespmem:v13+s23+$0x0], $0xffff  }
0xb6: {  	v14 =	vld.idx.msk [tilespmem:v14+s23+$0x0], $0xffff  }
0xb7: {  	v7 =	vld.idx.msk [tilespmem:v7+s25+$0x0], $0xffff  }
0xb8: {  	v16 =	vld.idx.msk [tilespmem:v16+s23+$0x0], $0xffff  }
0xb9: {  	v11 =	vld.idx.msk [tilespmem:v11+s25+$0x0], $0xffff  }
0xba: {  	v15 =	vld.idx.msk [tilespmem:v15+s23+$0x0], $0xffff;
	v12 =	vmul.f32 v8, v12;
	v13 =	vmul.f32 v9, v13  }
0xbb: {  	v14 =	vmul.f32 v10, v14  }
0xbc: {  	v8 =	vmul.f32 v12, v8;
	v9 =	vmul.f32 v13, v9  }
0xbd: {  	v55 =	vmul.f32 v7, v16;
	v10 =	vmul.f32 v14, v10  }
0xbe: {  	v8 =	vmul.f32 v8, v8;
	v9 =	vmul.f32 v9, v9  }
0xbf: {  	v56 =	vmul.f32 v11, v15  }
0xc0: {  	v7 =	vmul.f32 v55, v7;
	v8 =	vadd.f32 v9, v8;
	v9 =	vmul.f32 v10, v10;
	_ =	sdelay $0x1  }
0xc1: {  	s30 =	simm.s32 $0x10;
	v7 =	vmul.f32 v7, v7;
	v8 =	vadd.f32 v9, v8;
	v9 =	vmul.f32 v56, v11  }
0xc2: {  	v10 =	vmov s30  }
0xc3: {  	v10 =	vmul.u32 $0x5, v10;
	v7 =	vadd.f32 v7, v8;
	v8 =	vmul.f32 v9, v9;
	_ =	sdelay $0x1  }
0xc4: {  	v9 =	vbroadcast v10, $0x0;
	v7 =	vadd.f32 v8, v7;
	_ =	sdelay $0x1  }
0xc5: {  	v8 =	vadd.s32 v0, v9;
	v7 =	vmul.f32 $5.000000000e+00, v7  }
0xc6: {  	v10 =	vadd.s32 v2, v9  }
0xc7: {  	v11 =	vadd.s32 v3, v9;
	vm0 =	vlt.f32 v7, $2.500000000e-01  }
0xc8: {  	s30 =	simm.s32 $0x1F870;
	v57 =	vsel vm0, $0x1, v6  }
0xc9: {  	v7 =	vadd.s32 v5, v9;
	v9 =	vadd.s32 v4, v9;
	[tilespmem:s30+$0x0] =	vst v57  }
0xca: {  	v12 =	vld.idx.msk [tilespmem:v8+s24+$0x0], $0xffff  }
0xcb: {  	v58 =	vld.idx.msk [tilespmem:v10+s24+$0x0], $0xffff  }
0xcc: {  	v59 =	vld.idx.msk [tilespmem:v11+s24+$0x0], $0xffff  }
0xcd: {  	v11 =	vld.idx.msk [tilespmem:v11+s25+$0x0], $0xffff  }
0xce: {  	v61 =	vld.idx.msk [tilespmem:v9+s24+$0x0], $0xffff  }
0xcf: {  	v8 =	vld.idx.msk [tilespmem:v8+s25+$0x0], $0xffff  }
0xd0: {  	v60 =	vld.idx.msk [tilespmem:v7+s24+$0x0], $0xffff  }
0xd1: {  	v10 =	vld.idx.msk [tilespmem:v10+s25+$0x0], $0xffff  }
0xd2: {  	v12 =	vld.idx.msk [tilespmem:v12+s23+$0x0], $0xffff  }
0xd3: {  	v13 =	vld.idx.msk [tilespmem:v58+s23+$0x0], $0xffff  }
0xd4: {  	v14 =	vld.idx.msk [tilespmem:v59+s23+$0x0], $0xffff  }
0xd5: {  	v9 =	vld.idx.msk [tilespmem:v9+s25+$0x0], $0xffff  }
0xd6: {  	v16 =	vld.idx.msk [tilespmem:v61+s23+$0x0], $0xffff  }
0xd7: {  	v7 =	vld.idx.msk [tilespmem:v7+s25+$0x0], $0xffff  }
0xd8: {  	v15 =	vld.idx.msk [tilespmem:v60+s23+$0x0], $0xffff;
	v12 =	vmul.f32 v8, v12;
	v13 =	vmul.f32 v10, v13  }
0xd9: {  	v14 =	vmul.f32 v11, v14  }
0xda: {  	v8 =	vmul.f32 v12, v8;
	v10 =	vmul.f32 v13, v10  }
0xdb: {  	v11 =	vmul.f32 v14, v11;
	v62 =	vmul.f32 v9, v16  }
0xdc: {  	v8 =	vmul.f32 v8, v8;
	v10 =	vmul.f32 v10, v10  }
0xdd: {  	v63 =	vmul.f32 v7, v15  }
0xde: {  	v9 =	vmul.f32 v62, v9;
	v8 =	vadd.f32 v10, v8;
	v10 =	vmul.f32 v11, v11;
	_ =	sdelay $0x1  }
0xdf: {  	s31 =	simm.s32 $0x20;
	v9 =	vmul.f32 v9, v9;
	v8 =	vadd.f32 v10, v8;
	v10 =	vmul.f32 v63, v7  }
0xe0: {  	v7 =	vmov s31  }
0xe1: {  	s31 =	simm.s32 $0x30;
	v7 =	vmul.u32 $0x5, v7;
	v8 =	vadd.f32 v9, v8;
	v9 =	vmul.f32 v10, v10  }
.LBB2_6:
0xe2: {  	p0 =	sne.s32 s31, $0x3F0  }
0xe3: {  	v7 =	vbroadcast v7, $0x0;
	v8 =	vadd.f32 v9, v8;
	_ =	sdelay $0x1  }
0xe4: {  	v9 =	vadd.s32 v0, v7;
	v8 =	vmul.f32 $5.000000000e+00, v8  }
0xe5: {  	v10 =	vadd.s32 v2, v7  }
0xe6: {  	v11 =	vadd.s32 v3, v7;
	vm0 =	vlt.f32 v8, $2.500000000e-01  }
0xe7: {  	s30 =	sadd.s32 $0x10, s30;
	v8 =	vadd.s32 v5, v7;
	v12 =	vsel vm0, $0x1, v6  }
0xe8: {  	v7 =	vadd.s32 v4, v7;
	[tilespmem:s30+$0x0] =	vst v12  }
0xe9: {  	v12 =	vld.idx.msk [tilespmem:v9+s24+$0x0], $0xffff  }
0xea: {  	v13 =	vld.idx.msk [tilespmem:v10+s24+$0x0], $0xffff  }
0xeb: {  	v14 =	vld.idx.msk [tilespmem:v11+s24+$0x0], $0xffff  }
0xec: {  	v15 =	vld.idx.msk [tilespmem:v8+s24+$0x0], $0xffff  }
0xed: {  	v16 =	vld.idx.msk [tilespmem:v7+s24+$0x0], $0xffff  }
0xee: {  	v11 =	vld.idx.msk [tilespmem:v11+s25+$0x0], $0xffff  }
0xef: {  	v9 =	vld.idx.msk [tilespmem:v9+s25+$0x0], $0xffff  }
0xf0: {  	v10 =	vld.idx.msk [tilespmem:v10+s25+$0x0], $0xffff  }
0xf1: {  	v12 =	vld.idx.msk [tilespmem:v12+s23+$0x0], $0xffff  }
0xf2: {  	v13 =	vld.idx.msk [tilespmem:v13+s23+$0x0], $0xffff  }
0xf3: {  	v14 =	vld.idx.msk [tilespmem:v14+s23+$0x0], $0xffff  }
0xf4: {  	v7 =	vld.idx.msk [tilespmem:v7+s25+$0x0], $0xffff  }
0xf5: {  	v16 =	vld.idx.msk [tilespmem:v16+s23+$0x0], $0xffff  }
0xf6: {  	v8 =	vld.idx.msk [tilespmem:v8+s25+$0x0], $0xffff  }
0xf7: {  	v15 =	vld.idx.msk [tilespmem:v15+s23+$0x0], $0xffff  }
0xf8: {  	v12 =	vmul.f32 v9, v12;
	v13 =	vmul.f32 v10, v13  }
0xf9: {  	v14 =	vmul.f32 v11, v14  }
0xfa: {  	v9 =	vmul.f32 v12, v9;
	v10 =	vmul.f32 v13, v10  }
0xfb: {  	v11 =	vmul.f32 v14, v11;
	v12 =	vmul.f32 v7, v16  }
0xfc: {  	v9 =	vmul.f32 v9, v9;
	v10 =	vmul.f32 v10, v10  }
0xfd: {  	v13 =	vmul.f32 v8, v15  }
.Ltmp2:
0xfe: {  	v7 =	vmul.f32 v12, v7;
	v9 =	vadd.f32 v10, v9;
	v10 =	vmul.f32 v11, v11;
	(pc) =	sbr.rel @p0 .LBB2_6-.Ltmp2, $4  }
0xff: {  	_ = 	snop  }
0x100: {  	v11 =	vmul.f32 v13, v8;
	v9 =	vadd.f32 v10, v9;
	v10 =	vmul.f32 v7, v7  }
0x101: {  	v7 =	vmov s31  }
0x102: {  	s31 =	sadd.s32 $0x10, s31;
	v7 =	vmul.u32 $0x5, v7;
	v8 =	vadd.f32 v10, v9;
	v9 =	vmul.f32 v11, v11  }
0x103: {  	_ = 	snop  }
0x104: {  	v7 =	vbroadcast v7, $0x0;
	v8 =	vadd.f32 v9, v8;
	_ =	sdelay $0x1  }
0x105: {  	v9 =	vadd.s32 v0, v7;
	v8 =	vmul.f32 $5.000000000e+00, v8  }
0x106: {  	v10 =	vadd.s32 v2, v7  }
0x107: {  	v11 =	vadd.s32 v3, v7;
	vm0 =	vlt.f32 v8, $2.500000000e-01  }
0x108: {  	s30 =	sadd.s32 $0x10, s30;
	v12 =	vsel vm0, $0x1, v6  }
0x109: {  	v8 =	vadd.s32 v5, v7;
	v7 =	vadd.s32 v4, v7;
	[tilespmem:s30+$0x0] =	vst v12  }
0x10a: {  	v12 =	vld.idx.msk [tilespmem:v9+s24+$0x0], $0xffff  }
0x10b: {  	v13 =	vld.idx.msk [tilespmem:v10+s24+$0x0], $0xffff  }
0x10c: {  	v14 =	vld.idx.msk [tilespmem:v11+s24+$0x0], $0xffff  }
0x10d: {  	v11 =	vld.idx.msk [tilespmem:v11+s25+$0x0], $0xffff  }
0x10e: {  	v16 =	vld.idx.msk [tilespmem:v7+s24+$0x0], $0xffff  }
0x10f: {  	v9 =	vld.idx.msk [tilespmem:v9+s25+$0x0], $0xffff  }
0x110: {  	v15 =	vld.idx.msk [tilespmem:v8+s24+$0x0], $0xffff  }
0x111: {  	v10 =	vld.idx.msk [tilespmem:v10+s25+$0x0], $0xffff  }
0x112: {  	v12 =	vld.idx.msk [tilespmem:v12+s23+$0x0], $0xffff  }
0x113: {  	v13 =	vld.idx.msk [tilespmem:v13+s23+$0x0], $0xffff  }
0x114: {  	v14 =	vld.idx.msk [tilespmem:v14+s23+$0x0], $0xffff  }
0x115: {  	v7 =	vld.idx.msk [tilespmem:v7+s25+$0x0], $0xffff  }
0x116: {  	v16 =	vld.idx.msk [tilespmem:v16+s23+$0x0], $0xffff  }
0x117: {  	v8 =	vld.idx.msk [tilespmem:v8+s25+$0x0], $0xffff  }
0x118: {  	v15 =	vld.idx.msk [tilespmem:v15+s23+$0x0], $0xffff;
	v12 =	vmul.f32 v9, v12;
	v13 =	vmul.f32 v10, v13  }
0x119: {  	v14 =	vmul.f32 v11, v14  }
0x11a: {  	v9 =	vmul.f32 v12, v9;
	v10 =	vmul.f32 v13, v10  }
0x11b: {  	v11 =	vmul.f32 v14, v11;
	v48 =	vmul.f32 v7, v16  }
0x11c: {  	v9 =	vmul.f32 v9, v9;
	v10 =	vmul.f32 v10, v10  }
0x11d: {  	v49 =	vmul.f32 v8, v15  }
0x11e: {  	v7 =	vmul.f32 v48, v7;
	v9 =	vadd.f32 v10, v9;
	v10 =	vmul.f32 v11, v11;
	_ =	sdelay $0x1  }
0x11f: {  	v8 =	vmul.f32 v49, v8;
	v7 =	vmul.f32 v7, v7;
	v9 =	vadd.f32 v10, v9;
	_ =	sdelay $0x1  }
0x120: {  	v8 =	vmul.f32 v8, v8;
	v7 =	vadd.f32 v7, v9;
	_ =	sdelay $0x1  }
0x121: {  	v7 =	vadd.f32 v8, v7;
	_ =	sdelay $0x1  }
0x122: {  	v7 =	vmul.f32 $5.000000000e+00, v7;
	_ =	sdelay $0x1  }
0x123: {  	vm14 =	vlt.f32 v7, $2.500000000e-01  }
0x124: {  	s30 =	sadd.s32 $0x10, s30;
	v7 =	vsel vm14, $0x1, v6  }
0x125: {  	s31 =	simm.s32 $0x0;
	[tilespmem:s30+$0x0] =	vst v7;
	s30 =	simm.s32 $0x1F870  }
0x126: {  	[hbm4b:s11+s31] =	stream.linear.scatter [tilespmem:s30], [sflag:$0x2], $0x400, $0x38;
	[tilespmem:$0x1FC70] =	vst v63  }
0x127: {  	_ =	swait.ge [sflag:s22], $0x400  }
0x128: {  	[sflag:s22] =	ssyncset.done $0x0  }
0x129: {  	v7 =	vmov s31;
	[sflag:s22] =	ssyncadd.s32 $0xFFFFFC00  }
0x12a: {  	v7 =	vmul.u32 $0x5, v7;
	[tilespmem:s24], [sflag:$0x1] =	stream.linear.gather [hbm4b:s12+s31], $0x1400, $0x38;
	[tilespmem:$0x1FC70] =	vst v63  }
0x12b: {  	_ = 	snop  }
0x12c: {  	v7 =	vbroadcast v7, $0x0;
	[tilespmem:s25], [sflag:$0x1] =	stream.linear.gather [hbm4b:s13+s31], $0x1400, $0x38;
	[tilespmem:$0x1FC70] =	vst v63  }
0x12d: {  	_ =	swait.ge [sflag:s26], $0x1400  }
0x12e: {  	v8 =	vadd.s32 v0, v7;
	[sflag:s26] =	ssyncset.done $0x0  }
0x12f: {  	v9 =	vadd.s32 v2, v7;
	[sflag:s26] =	ssyncadd.s32 $0xFFFFEC00  }
0x130: {  	v10 =	vadd.s32 v3, v7;
	_ =	swait.ge [sflag:s26], $0x1400  }
0x131: {  	v11 =	vadd.s32 v5, v7;
	[sflag:s26] =	ssyncset.done $0x0  }
0x132: {  	v7 =	vadd.s32 v4, v7;
	[sflag:s26] =	ssyncadd.s32 $0xFFFFEC00  }
0x133: {  	v50 =	vld.idx.msk [tilespmem:v8+s24+$0x0], $0xffff  }
0x134: {  	v51 =	vld.idx.msk [tilespmem:v9+s24+$0x0], $0xffff  }
0x135: {  	v52 =	vld.idx.msk [tilespmem:v10+s24+$0x0], $0xffff  }
0x136: {  	v53 =	vld.idx.msk [tilespmem:v11+s24+$0x0], $0xffff  }
0x137: {  	v54 =	vld.idx.msk [tilespmem:v7+s24+$0x0], $0xffff  }
0x138: {  	v10 =	vld.idx.msk [tilespmem:v10+s25+$0x0], $0xffff  }
0x139: {  	v8 =	vld.idx.msk [tilespmem:v8+s25+$0x0], $0xffff  }
0x13a: {  	v9 =	vld.idx.msk [tilespmem:v9+s25+$0x0], $0xffff  }
0x13b: {  	v12 =	vld.idx.msk [tilespmem:v50+s23+$0x0], $0xffff  }
0x13c: {  	v13 =	vld.idx.msk [tilespmem:v51+s23+$0x0], $0xffff  }
0x13d: {  	v14 =	vld.idx.msk [tilespmem:v52+s23+$0x0], $0xffff  }
0x13e: {  	v7 =	vld.idx.msk [tilespmem:v7+s25+$0x0], $0xffff  }
0x13f: {  	v16 =	vld.idx.msk [tilespmem:v54+s23+$0x0], $0xffff  }
0x140: {  	v11 =	vld.idx.msk [tilespmem:v11+s25+$0x0], $0xffff  }
0x141: {  	v15 =	vld.idx.msk [tilespmem:v53+s23+$0x0], $0xffff;
	v12 =	vmul.f32 v8, v12;
	v13 =	vmul.f32 v9, v13  }
0x142: {  	v14 =	vmul.f32 v10, v14  }
0x143: {  	v8 =	vmul.f32 v12, v8;
	v9 =	vmul.f32 v13, v9  }
0x144: {  	v55 =	vmul.f32 v7, v16;
	v10 =	vmul.f32 v14, v10  }
0x145: {  	v8 =	vmul.f32 v8, v8;
	v9 =	vmul.f32 v9, v9  }
0x146: {  	v56 =	vmul.f32 v11, v15  }
0x147: {  	v7 =	vmul.f32 v55, v7;
	v8 =	vadd.f32 v9, v8;
	v9 =	vmul.f32 v10, v10;
	_ =	sdelay $0x1  }
0x148: {  	s31 =	simm.s32 $0x10;
	v7 =	vmul.f32 v7, v7;
	v8 =	vadd.f32 v9, v8;
	v9 =	vmul.f32 v56, v11  }
0x149: {  	v10 =	vmov s31  }
0x14a: {  	v10 =	vmul.u32 $0x5, v10;
	v7 =	vadd.f32 v7, v8;
	v8 =	vmul.f32 v9, v9;
	_ =	sdelay $0x1  }
0x14b: {  	v9 =	vbroadcast v10, $0x0;
	v7 =	vadd.f32 v8, v7;
	_ =	sdelay $0x1  }
0x14c: {  	v8 =	vadd.s32 v0, v9;
	v7 =	vmul.f32 $5.000000000e+00, v7  }
0x14d: {  	v10 =	vadd.s32 v2, v9  }
0x14e: {  	v11 =	vadd.s32 v3, v9;
	vm15 =	vlt.f32 v7, $2.500000000e-01  }
0x14f: {  	v57 =	vsel vm15, $0x1, v6  }
0x150: {  	v7 =	vadd.s32 v5, v9;
	v9 =	vadd.s32 v4, v9;
	[tilespmem:s30+$0x0] =	vst v57  }
0x151: {  	v12 =	vld.idx.msk [tilespmem:v8+s24+$0x0], $0xffff  }
0x152: {  	v58 =	vld.idx.msk [tilespmem:v10+s24+$0x0], $0xffff  }
0x153: {  	v59 =	vld.idx.msk [tilespmem:v11+s24+$0x0], $0xffff  }
0x154: {  	v11 =	vld.idx.msk [tilespmem:v11+s25+$0x0], $0xffff  }
0x155: {  	v61 =	vld.idx.msk [tilespmem:v9+s24+$0x0], $0xffff  }
0x156: {  	v8 =	vld.idx.msk [tilespmem:v8+s25+$0x0], $0xffff  }
0x157: {  	v60 =	vld.idx.msk [tilespmem:v7+s24+$0x0], $0xffff  }
0x158: {  	v10 =	vld.idx.msk [tilespmem:v10+s25+$0x0], $0xffff  }
0x159: {  	v12 =	vld.idx.msk [tilespmem:v12+s23+$0x0], $0xffff  }
0x15a: {  	v13 =	vld.idx.msk [tilespmem:v58+s23+$0x0], $0xffff  }
0x15b: {  	v14 =	vld.idx.msk [tilespmem:v59+s23+$0x0], $0xffff  }
0x15c: {  	v9 =	vld.idx.msk [tilespmem:v9+s25+$0x0], $0xffff  }
0x15d: {  	v16 =	vld.idx.msk [tilespmem:v61+s23+$0x0], $0xffff  }
0x15e: {  	v7 =	vld.idx.msk [tilespmem:v7+s25+$0x0], $0xffff  }
0x15f: {  	v15 =	vld.idx.msk [tilespmem:v60+s23+$0x0], $0xffff;
	v12 =	vmul.f32 v8, v12;
	v13 =	vmul.f32 v10, v13  }
0x160: {  	v14 =	vmul.f32 v11, v14  }
0x161: {  	v8 =	vmul.f32 v12, v8;
	v10 =	vmul.f32 v13, v10  }
0x162: {  	v11 =	vmul.f32 v14, v11;
	v62 =	vmul.f32 v9, v16  }
0x163: {  	v8 =	vmul.f32 v8, v8;
	v10 =	vmul.f32 v10, v10  }
0x164: {  	v63 =	vmul.f32 v7, v15  }
0x165: {  	v9 =	vmul.f32 v62, v9;
	v8 =	vadd.f32 v10, v8;
	v10 =	vmul.f32 v11, v11;
	_ =	sdelay $0x1  }
0x166: {  	s31 =	simm.s32 $0x20;
	v9 =	vmul.f32 v9, v9;
	v8 =	vadd.f32 v10, v8;
	v10 =	vmul.f32 v63, v7  }
0x167: {  	v7 =	vmov s31  }
0x168: {  	s31 =	simm.s32 $0x30;
	v7 =	vmul.u32 $0x5, v7;
	v8 =	vadd.f32 v9, v8;
	v9 =	vmul.f32 v10, v10  }
.LBB2_8:
0x169: {  	p0 =	sne.s32 s31, $0x3F0  }
0x16a: {  	v7 =	vbroadcast v7, $0x0;
	v8 =	vadd.f32 v9, v8;
	_ =	sdelay $0x1  }
0x16b: {  	v9 =	vadd.s32 v0, v7;
	v8 =	vmul.f32 $5.000000000e+00, v8  }
0x16c: {  	v10 =	vadd.s32 v2, v7  }
0x16d: {  	v11 =	vadd.s32 v3, v7;
	vm0 =	vlt.f32 v8, $2.500000000e-01  }
0x16e: {  	s30 =	sadd.s32 $0x10, s30;
	v8 =	vadd.s32 v5, v7;
	v12 =	vsel vm0, $0x1, v6  }
0x16f: {  	v7 =	vadd.s32 v4, v7;
	[tilespmem:s30+$0x0] =	vst v12  }
0x170: {  	v12 =	vld.idx.msk [tilespmem:v9+s24+$0x0], $0xffff  }
0x171: {  	v13 =	vld.idx.msk [tilespmem:v10+s24+$0x0], $0xffff  }
0x172: {  	v14 =	vld.idx.msk [tilespmem:v11+s24+$0x0], $0xffff  }
0x173: {  	v15 =	vld.idx.msk [tilespmem:v8+s24+$0x0], $0xffff  }
0x174: {  	v16 =	vld.idx.msk [tilespmem:v7+s24+$0x0], $0xffff  }
0x175: {  	v11 =	vld.idx.msk [tilespmem:v11+s25+$0x0], $0xffff  }
0x176: {  	v9 =	vld.idx.msk [tilespmem:v9+s25+$0x0], $0xffff  }
0x177: {  	v10 =	vld.idx.msk [tilespmem:v10+s25+$0x0], $0xffff  }
0x178: {  	v12 =	vld.idx.msk [tilespmem:v12+s23+$0x0], $0xffff  }
0x179: {  	v13 =	vld.idx.msk [tilespmem:v13+s23+$0x0], $0xffff  }
0x17a: {  	v14 =	vld.idx.msk [tilespmem:v14+s23+$0x0], $0xffff  }
0x17b: {  	v7 =	vld.idx.msk [tilespmem:v7+s25+$0x0], $0xffff  }
0x17c: {  	v16 =	vld.idx.msk [tilespmem:v16+s23+$0x0], $0xffff  }
0x17d: {  	v8 =	vld.idx.msk [tilespmem:v8+s25+$0x0], $0xffff  }
0x17e: {  	v15 =	vld.idx.msk [tilespmem:v15+s23+$0x0], $0xffff  }
0x17f: {  	v12 =	vmul.f32 v9, v12;
	v13 =	vmul.f32 v10, v13  }
0x180: {  	v14 =	vmul.f32 v11, v14  }
0x181: {  	v9 =	vmul.f32 v12, v9;
	v10 =	vmul.f32 v13, v10  }
0x182: {  	v11 =	vmul.f32 v14, v11;
	v12 =	vmul.f32 v7, v16  }
0x183: {  	v9 =	vmul.f32 v9, v9;
	v10 =	vmul.f32 v10, v10  }
0x184: {  	v13 =	vmul.f32 v8, v15  }
.Ltmp3:
0x185: {  	v7 =	vmul.f32 v12, v7;
	v9 =	vadd.f32 v10, v9;
	v10 =	vmul.f32 v11, v11;
	(pc) =	sbr.rel @p0 .LBB2_8-.Ltmp3, $4  }
0x186: {  	_ = 	snop  }
0x187: {  	v11 =	vmul.f32 v13, v8;
	v9 =	vadd.f32 v10, v9;
	v10 =	vmul.f32 v7, v7  }
0x188: {  	v7 =	vmov s31  }
0x189: {  	s31 =	sadd.s32 $0x10, s31;
	v7 =	vmul.u32 $0x5, v7;
	v8 =	vadd.f32 v10, v9;
	v9 =	vmul.f32 v11, v11  }
0x18a: {  	_ = 	snop  }
0x18b: {  	v7 =	vbroadcast v7, $0x0;
	v8 =	vadd.f32 v9, v8;
	_ =	sdelay $0x1  }
0x18c: {  	v9 =	vadd.s32 v0, v7;
	v8 =	vmul.f32 $5.000000000e+00, v8  }
0x18d: {  	v10 =	vadd.s32 v2, v7  }
0x18e: {  	v11 =	vadd.s32 v3, v7;
	vm0 =	vlt.f32 v8, $2.500000000e-01  }
0x18f: {  	s30 =	sadd.s32 $0x10, s30;
	v12 =	vsel vm0, $0x1, v6  }
0x190: {  	v8 =	vadd.s32 v5, v7;
	v7 =	vadd.s32 v4, v7;
	[tilespmem:s30+$0x0] =	vst v12  }
0x191: {  	v12 =	vld.idx.msk [tilespmem:v9+s24+$0x0], $0xffff  }
0x192: {  	v13 =	vld.idx.msk [tilespmem:v10+s24+$0x0], $0xffff  }
0x193: {  	v14 =	vld.idx.msk [tilespmem:v11+s24+$0x0], $0xffff  }
0x194: {  	v11 =	vld.idx.msk [tilespmem:v11+s25+$0x0], $0xffff  }
0x195: {  	v16 =	vld.idx.msk [tilespmem:v7+s24+$0x0], $0xffff  }
0x196: {  	v9 =	vld.idx.msk [tilespmem:v9+s25+$0x0], $0xffff  }
0x197: {  	v15 =	vld.idx.msk [tilespmem:v8+s24+$0x0], $0xffff  }
0x198: {  	v10 =	vld.idx.msk [tilespmem:v10+s25+$0x0], $0xffff  }
0x199: {  	v12 =	vld.idx.msk [tilespmem:v12+s23+$0x0], $0xffff  }
0x19a: {  	v13 =	vld.idx.msk [tilespmem:v13+s23+$0x0], $0xffff  }
0x19b: {  	v14 =	vld.idx.msk [tilespmem:v14+s23+$0x0], $0xffff  }
0x19c: {  	v7 =	vld.idx.msk [tilespmem:v7+s25+$0x0], $0xffff  }
0x19d: {  	v16 =	vld.idx.msk [tilespmem:v16+s23+$0x0], $0xffff  }
0x19e: {  	v8 =	vld.idx.msk [tilespmem:v8+s25+$0x0], $0xffff  }
0x19f: {  	v15 =	vld.idx.msk [tilespmem:v15+s23+$0x0], $0xffff;
	v12 =	vmul.f32 v9, v12;
	v13 =	vmul.f32 v10, v13  }
0x1a0: {  	v14 =	vmul.f32 v11, v14  }
0x1a1: {  	v9 =	vmul.f32 v12, v9;
	v10 =	vmul.f32 v13, v10  }
0x1a2: {  	v11 =	vmul.f32 v14, v11;
	v48 =	vmul.f32 v7, v16  }
0x1a3: {  	v9 =	vmul.f32 v9, v9;
	v10 =	vmul.f32 v10, v10  }
0x1a4: {  	v49 =	vmul.f32 v8, v15  }
0x1a5: {  	v7 =	vmul.f32 v48, v7;
	v9 =	vadd.f32 v10, v9;
	v10 =	vmul.f32 v11, v11;
	_ =	sdelay $0x1  }
0x1a6: {  	v8 =	vmul.f32 v49, v8;
	v7 =	vmul.f32 v7, v7;
	v9 =	vadd.f32 v10, v9;
	_ =	sdelay $0x1  }
0x1a7: {  	v8 =	vmul.f32 v8, v8;
	v7 =	vadd.f32 v7, v9;
	_ =	sdelay $0x1  }
0x1a8: {  	v7 =	vadd.f32 v8, v7;
	_ =	sdelay $0x1  }
0x1a9: {  	v7 =	vmul.f32 $5.000000000e+00, v7;
	_ =	sdelay $0x1  }
0x1aa: {  	vm14 =	vlt.f32 v7, $2.500000000e-01  }
0x1ab: {  	s30 =	sadd.s32 $0x10, s30;
	v7 =	vsel vm14, $0x1, v6  }
0x1ac: {  	s31 =	simm.s32 $0x0;
	[tilespmem:s30+$0x0] =	vst v7;
	s30 =	simm.s32 $0x1F870  }
0x1ad: {  	[hbm4b:s14+s31] =	stream.linear.scatter [tilespmem:s30], [sflag:$0x2], $0x400, $0x38;
	[tilespmem:$0x1FC70] =	vst v63  }
0x1ae: {  	_ =	swait.ge [sflag:s22], $0x400  }
0x1af: {  	[sflag:s22] =	ssyncset.done $0x0  }
0x1b0: {  	v7 =	vmov s31;
	[sflag:s22] =	ssyncadd.s32 $0xFFFFFC00  }
0x1b1: {  	v7 =	vmul.u32 $0x5, v7;
	[tilespmem:s24], [sflag:$0x1] =	stream.linear.gather [hbm4b:s15+s31], $0x1400, $0x38;
	[tilespmem:$0x1FC70] =	vst v63  }
0x1b2: {  	_ = 	snop  }
0x1b3: {  	v7 =	vbroadcast v7, $0x0;
	[tilespmem:s25], [sflag:$0x1] =	stream.linear.gather [hbm4b:s16+s31], $0x1400, $0x38;
	[tilespmem:$0x1FC70] =	vst v63  }
0x1b4: {  	_ =	swait.ge [sflag:s26], $0x1400  }
0x1b5: {  	v8 =	vadd.s32 v0, v7;
	[sflag:s26] =	ssyncset.done $0x0  }
0x1b6: {  	v9 =	vadd.s32 v2, v7;
	[sflag:s26] =	ssyncadd.s32 $0xFFFFEC00  }
0x1b7: {  	v10 =	vadd.s32 v3, v7;
	_ =	swait.ge [sflag:s26], $0x1400  }
0x1b8: {  	v11 =	vadd.s32 v5, v7;
	[sflag:s26] =	ssyncset.done $0x0  }
0x1b9: {  	v7 =	vadd.s32 v4, v7;
	[sflag:s26] =	ssyncadd.s32 $0xFFFFEC00  }
0x1ba: {  	v50 =	vld.idx.msk [tilespmem:v8+s24+$0x0], $0xffff  }
0x1bb: {  	v51 =	vld.idx.msk [tilespmem:v9+s24+$0x0], $0xffff  }
0x1bc: {  	v52 =	vld.idx.msk [tilespmem:v10+s24+$0x0], $0xffff  }
0x1bd: {  	v53 =	vld.idx.msk [tilespmem:v11+s24+$0x0], $0xffff  }
0x1be: {  	v54 =	vld.idx.msk [tilespmem:v7+s24+$0x0], $0xffff  }
0x1bf: {  	v10 =	vld.idx.msk [tilespmem:v10+s25+$0x0], $0xffff  }
0x1c0: {  	v8 =	vld.idx.msk [tilespmem:v8+s25+$0x0], $0xffff  }
0x1c1: {  	v9 =	vld.idx.msk [tilespmem:v9+s25+$0x0], $0xffff  }
0x1c2: {  	v12 =	vld.idx.msk [tilespmem:v50+s23+$0x0], $0xffff  }
0x1c3: {  	v13 =	vld.idx.msk [tilespmem:v51+s23+$0x0], $0xffff  }
0x1c4: {  	v14 =	vld.idx.msk [tilespmem:v52+s23+$0x0], $0xffff  }
0x1c5: {  	v7 =	vld.idx.msk [tilespmem:v7+s25+$0x0], $0xffff  }
0x1c6: {  	v16 =	vld.idx.msk [tilespmem:v54+s23+$0x0], $0xffff  }
0x1c7: {  	v11 =	vld.idx.msk [tilespmem:v11+s25+$0x0], $0xffff  }
0x1c8: {  	v15 =	vld.idx.msk [tilespmem:v53+s23+$0x0], $0xffff;
	v12 =	vmul.f32 v8, v12;
	v13 =	vmul.f32 v9, v13  }
0x1c9: {  	v14 =	vmul.f32 v10, v14  }
0x1ca: {  	v8 =	vmul.f32 v12, v8;
	v9 =	vmul.f32 v13, v9  }
0x1cb: {  	v55 =	vmul.f32 v7, v16;
	v10 =	vmul.f32 v14, v10  }
0x1cc: {  	v8 =	vmul.f32 v8, v8;
	v9 =	vmul.f32 v9, v9  }
0x1cd: {  	v56 =	vmul.f32 v11, v15  }
0x1ce: {  	v7 =	vmul.f32 v55, v7;
	v8 =	vadd.f32 v9, v8;
	v9 =	vmul.f32 v10, v10;
	_ =	sdelay $0x1  }
0x1cf: {  	s31 =	simm.s32 $0x10;
	v7 =	vmul.f32 v7, v7;
	v8 =	vadd.f32 v9, v8;
	v9 =	vmul.f32 v56, v11  }
0x1d0: {  	v10 =	vmov s31  }
0x1d1: {  	v10 =	vmul.u32 $0x5, v10;
	v7 =	vadd.f32 v7, v8;
	v8 =	vmul.f32 v9, v9;
	_ =	sdelay $0x1  }
0x1d2: {  	v9 =	vbroadcast v10, $0x0;
	v7 =	vadd.f32 v8, v7;
	_ =	sdelay $0x1  }
0x1d3: {  	v8 =	vadd.s32 v0, v9;
	v7 =	vmul.f32 $5.000000000e+00, v7  }
0x1d4: {  	v10 =	vadd.s32 v2, v9  }
0x1d5: {  	v11 =	vadd.s32 v3, v9;
	vm15 =	vlt.f32 v7, $2.500000000e-01  }
0x1d6: {  	v57 =	vsel vm15, $0x1, v6  }
0x1d7: {  	v7 =	vadd.s32 v5, v9;
	v9 =	vadd.s32 v4, v9;
	[tilespmem:s30+$0x0] =	vst v57  }
0x1d8: {  	v12 =	vld.idx.msk [tilespmem:v8+s24+$0x0], $0xffff  }
0x1d9: {  	v58 =	vld.idx.msk [tilespmem:v10+s24+$0x0], $0xffff  }
0x1da: {  	v59 =	vld.idx.msk [tilespmem:v11+s24+$0x0], $0xffff  }
0x1db: {  	v11 =	vld.idx.msk [tilespmem:v11+s25+$0x0], $0xffff  }
0x1dc: {  	v61 =	vld.idx.msk [tilespmem:v9+s24+$0x0], $0xffff  }
0x1dd: {  	v8 =	vld.idx.msk [tilespmem:v8+s25+$0x0], $0xffff  }
0x1de: {  	v60 =	vld.idx.msk [tilespmem:v7+s24+$0x0], $0xffff  }
0x1df: {  	v10 =	vld.idx.msk [tilespmem:v10+s25+$0x0], $0xffff  }
0x1e0: {  	v12 =	vld.idx.msk [tilespmem:v12+s23+$0x0], $0xffff  }
0x1e1: {  	v13 =	vld.idx.msk [tilespmem:v58+s23+$0x0], $0xffff  }
0x1e2: {  	v14 =	vld.idx.msk [tilespmem:v59+s23+$0x0], $0xffff  }
0x1e3: {  	v9 =	vld.idx.msk [tilespmem:v9+s25+$0x0], $0xffff  }
0x1e4: {  	v16 =	vld.idx.msk [tilespmem:v61+s23+$0x0], $0xffff  }
0x1e5: {  	v7 =	vld.idx.msk [tilespmem:v7+s25+$0x0], $0xffff  }
0x1e6: {  	v15 =	vld.idx.msk [tilespmem:v60+s23+$0x0], $0xffff;
	v12 =	vmul.f32 v8, v12;
	v13 =	vmul.f32 v10, v13  }
0x1e7: {  	v14 =	vmul.f32 v11, v14  }
0x1e8: {  	v8 =	vmul.f32 v12, v8;
	v10 =	vmul.f32 v13, v10  }
0x1e9: {  	v11 =	vmul.f32 v14, v11;
	v62 =	vmul.f32 v9, v16  }
0x1ea: {  	v8 =	vmul.f32 v8, v8;
	v10 =	vmul.f32 v10, v10  }
0x1eb: {  	v63 =	vmul.f32 v7, v15  }
0x1ec: {  	v9 =	vmul.f32 v62, v9;
	v8 =	vadd.f32 v10, v8;
	v10 =	vmul.f32 v11, v11;
	_ =	sdelay $0x1  }
0x1ed: {  	s31 =	simm.s32 $0x20;
	v9 =	vmul.f32 v9, v9;
	v8 =	vadd.f32 v10, v8;
	v10 =	vmul.f32 v63, v7  }
0x1ee: {  	v7 =	vmov s31  }
0x1ef: {  	s31 =	simm.s32 $0x30;
	v7 =	vmul.u32 $0x5, v7;
	v8 =	vadd.f32 v9, v8;
	v9 =	vmul.f32 v10, v10  }
.LBB2_10:
0x1f0: {  	p0 =	sne.s32 s31, $0x3F0  }
0x1f1: {  	v7 =	vbroadcast v7, $0x0;
	v8 =	vadd.f32 v9, v8;
	_ =	sdelay $0x1  }
0x1f2: {  	v9 =	vadd.s32 v0, v7;
	v8 =	vmul.f32 $5.000000000e+00, v8  }
0x1f3: {  	v10 =	vadd.s32 v2, v7  }
0x1f4: {  	v11 =	vadd.s32 v3, v7;
	vm0 =	vlt.f32 v8, $2.500000000e-01  }
0x1f5: {  	s30 =	sadd.s32 $0x10, s30;
	v8 =	vadd.s32 v5, v7;
	v12 =	vsel vm0, $0x1, v6  }
0x1f6: {  	v7 =	vadd.s32 v4, v7;
	[tilespmem:s30+$0x0] =	vst v12  }
0x1f7: {  	v12 =	vld.idx.msk [tilespmem:v9+s24+$0x0], $0xffff  }
0x1f8: {  	v13 =	vld.idx.msk [tilespmem:v10+s24+$0x0], $0xffff  }
0x1f9: {  	v14 =	vld.idx.msk [tilespmem:v11+s24+$0x0], $0xffff  }
0x1fa: {  	v15 =	vld.idx.msk [tilespmem:v8+s24+$0x0], $0xffff  }
0x1fb: {  	v16 =	vld.idx.msk [tilespmem:v7+s24+$0x0], $0xffff  }
0x1fc: {  	v11 =	vld.idx.msk [tilespmem:v11+s25+$0x0], $0xffff  }
0x1fd: {  	v9 =	vld.idx.msk [tilespmem:v9+s25+$0x0], $0xffff  }
0x1fe: {  	v10 =	vld.idx.msk [tilespmem:v10+s25+$0x0], $0xffff  }
0x1ff: {  	v12 =	vld.idx.msk [tilespmem:v12+s23+$0x0], $0xffff  }
0x200: {  	v13 =	vld.idx.msk [tilespmem:v13+s23+$0x0], $0xffff  }
0x201: {  	v14 =	vld.idx.msk [tilespmem:v14+s23+$0x0], $0xffff  }
0x202: {  	v7 =	vld.idx.msk [tilespmem:v7+s25+$0x0], $0xffff  }
0x203: {  	v16 =	vld.idx.msk [tilespmem:v16+s23+$0x0], $0xffff  }
0x204: {  	v8 =	vld.idx.msk [tilespmem:v8+s25+$0x0], $0xffff  }
0x205: {  	v15 =	vld.idx.msk [tilespmem:v15+s23+$0x0], $0xffff  }
0x206: {  	v12 =	vmul.f32 v9, v12;
	v13 =	vmul.f32 v10, v13  }
0x207: {  	v14 =	vmul.f32 v11, v14  }
0x208: {  	v9 =	vmul.f32 v12, v9;
	v10 =	vmul.f32 v13, v10  }
0x209: {  	v11 =	vmul.f32 v14, v11;
	v12 =	vmul.f32 v7, v16  }
0x20a: {  	v9 =	vmul.f32 v9, v9;
	v10 =	vmul.f32 v10, v10  }
0x20b: {  	v13 =	vmul.f32 v8, v15  }
.Ltmp4:
0x20c: {  	v7 =	vmul.f32 v12, v7;
	v9 =	vadd.f32 v10, v9;
	v10 =	vmul.f32 v11, v11;
	(pc) =	sbr.rel @p0 .LBB2_10-.Ltmp4, $4  }
0x20d: {  	_ = 	snop  }
0x20e: {  	v11 =	vmul.f32 v13, v8;
	v9 =	vadd.f32 v10, v9;
	v10 =	vmul.f32 v7, v7  }
0x20f: {  	v7 =	vmov s31  }
0x210: {  	s31 =	sadd.s32 $0x10, s31;
	v7 =	vmul.u32 $0x5, v7;
	v8 =	vadd.f32 v10, v9;
	v9 =	vmul.f32 v11, v11  }
0x211: {  	_ = 	snop  }
0x212: {  	v7 =	vbroadcast v7, $0x0;
	v8 =	vadd.f32 v9, v8;
	_ =	sdelay $0x1  }
0x213: {  	v9 =	vadd.s32 v0, v7;
	v8 =	vmul.f32 $5.000000000e+00, v8  }
0x214: {  	v10 =	vadd.s32 v2, v7  }
0x215: {  	v11 =	vadd.s32 v3, v7;
	vm0 =	vlt.f32 v8, $2.500000000e-01  }
0x216: {  	s30 =	sadd.s32 $0x10, s30;
	v12 =	vsel vm0, $0x1, v6  }
0x217: {  	v8 =	vadd.s32 v5, v7;
	v7 =	vadd.s32 v4, v7;
	[tilespmem:s30+$0x0] =	vst v12  }
0x218: {  	v12 =	vld.idx.msk [tilespmem:v9+s24+$0x0], $0xffff  }
0x219: {  	v13 =	vld.idx.msk [tilespmem:v10+s24+$0x0], $0xffff  }
0x21a: {  	v14 =	vld.idx.msk [tilespmem:v11+s24+$0x0], $0xffff  }
0x21b: {  	v11 =	vld.idx.msk [tilespmem:v11+s25+$0x0], $0xffff  }
0x21c: {  	v16 =	vld.idx.msk [tilespmem:v7+s24+$0x0], $0xffff  }
0x21d: {  	v9 =	vld.idx.msk [tilespmem:v9+s25+$0x0], $0xffff  }
0x21e: {  	v15 =	vld.idx.msk [tilespmem:v8+s24+$0x0], $0xffff  }
0x21f: {  	v10 =	vld.idx.msk [tilespmem:v10+s25+$0x0], $0xffff  }
0x220: {  	v12 =	vld.idx.msk [tilespmem:v12+s23+$0x0], $0xffff  }
0x221: {  	v13 =	vld.idx.msk [tilespmem:v13+s23+$0x0], $0xffff  }
0x222: {  	v14 =	vld.idx.msk [tilespmem:v14+s23+$0x0], $0xffff  }
0x223: {  	v7 =	vld.idx.msk [tilespmem:v7+s25+$0x0], $0xffff  }
0x224: {  	v16 =	vld.idx.msk [tilespmem:v16+s23+$0x0], $0xffff  }
0x225: {  	v8 =	vld.idx.msk [tilespmem:v8+s25+$0x0], $0xffff  }
0x226: {  	v15 =	vld.idx.msk [tilespmem:v15+s23+$0x0], $0xffff;
	v12 =	vmul.f32 v9, v12;
	v13 =	vmul.f32 v10, v13  }
0x227: {  	v14 =	vmul.f32 v11, v14  }
0x228: {  	v9 =	vmul.f32 v12, v9;
	v10 =	vmul.f32 v13, v10  }
0x229: {  	v11 =	vmul.f32 v14, v11;
	v48 =	vmul.f32 v7, v16  }
0x22a: {  	v9 =	vmul.f32 v9, v9;
	v10 =	vmul.f32 v10, v10  }
0x22b: {  	v49 =	vmul.f32 v8, v15  }
0x22c: {  	v7 =	vmul.f32 v48, v7;
	v9 =	vadd.f32 v10, v9;
	v10 =	vmul.f32 v11, v11;
	_ =	sdelay $0x1  }
0x22d: {  	v8 =	vmul.f32 v49, v8;
	v7 =	vmul.f32 v7, v7;
	v9 =	vadd.f32 v10, v9;
	_ =	sdelay $0x1  }
0x22e: {  	v8 =	vmul.f32 v8, v8;
	v7 =	vadd.f32 v7, v9;
	_ =	sdelay $0x1  }
0x22f: {  	v7 =	vadd.f32 v8, v7;
	_ =	sdelay $0x1  }
0x230: {  	v7 =	vmul.f32 $5.000000000e+00, v7;
	_ =	sdelay $0x1  }
0x231: {  	vm14 =	vlt.f32 v7, $2.500000000e-01  }
0x232: {  	s30 =	sadd.s32 $0x10, s30;
	v7 =	vsel vm14, $0x1, v6  }
0x233: {  	s31 =	simm.s32 $0x0;
	[tilespmem:s30+$0x0] =	vst v7;
	s30 =	simm.s32 $0x1F870  }
0x234: {  	[hbm4b:s17+s31] =	stream.linear.scatter [tilespmem:s30], [sflag:$0x2], $0x400, $0x38;
	[tilespmem:$0x1FC70] =	vst v63  }
0x235: {  	_ =	swait.ge [sflag:s22], $0x400  }
0x236: {  	[sflag:s22] =	ssyncset.done $0x0  }
0x237: {  	v7 =	vmov s31;
	[sflag:s22] =	ssyncadd.s32 $0xFFFFFC00  }
0x238: {  	v7 =	vmul.u32 $0x5, v7;
	[tilespmem:s24], [sflag:$0x1] =	stream.linear.gather [hbm4b:s18+s31], $0x1400, $0x38;
	[tilespmem:$0x1FC70] =	vst v63  }
0x239: {  	_ = 	snop  }
0x23a: {  	v7 =	vbroadcast v7, $0x0;
	[tilespmem:s25], [sflag:$0x1] =	stream.linear.gather [hbm4b:s19+s31], $0x1400, $0x38;
	[tilespmem:$0x1FC70] =	vst v63  }
0x23b: {  	_ =	swait.ge [sflag:s26], $0x1400  }
0x23c: {  	v8 =	vadd.s32 v0, v7;
	[sflag:s26] =	ssyncset.done $0x0  }
0x23d: {  	v9 =	vadd.s32 v2, v7;
	[sflag:s26] =	ssyncadd.s32 $0xFFFFEC00  }
0x23e: {  	v10 =	vadd.s32 v3, v7;
	_ =	swait.ge [sflag:s26], $0x1400  }
0x23f: {  	v11 =	vadd.s32 v5, v7;
	[sflag:s26] =	ssyncset.done $0x0  }
0x240: {  	v7 =	vadd.s32 v4, v7;
	[sflag:s26] =	ssyncadd.s32 $0xFFFFEC00  }
0x241: {  	v50 =	vld.idx.msk [tilespmem:v8+s24+$0x0], $0xffff  }
0x242: {  	v51 =	vld.idx.msk [tilespmem:v9+s24+$0x0], $0xffff  }
0x243: {  	v52 =	vld.idx.msk [tilespmem:v10+s24+$0x0], $0xffff  }
0x244: {  	v53 =	vld.idx.msk [tilespmem:v11+s24+$0x0], $0xffff  }
0x245: {  	v54 =	vld.idx.msk [tilespmem:v7+s24+$0x0], $0xffff  }
0x246: {  	v10 =	vld.idx.msk [tilespmem:v10+s25+$0x0], $0xffff  }
0x247: {  	v8 =	vld.idx.msk [tilespmem:v8+s25+$0x0], $0xffff  }
0x248: {  	v9 =	vld.idx.msk [tilespmem:v9+s25+$0x0], $0xffff  }
0x249: {  	v12 =	vld.idx.msk [tilespmem:v50+s23+$0x0], $0xffff  }
0x24a: {  	v13 =	vld.idx.msk [tilespmem:v51+s23+$0x0], $0xffff  }
0x24b: {  	v14 =	vld.idx.msk [tilespmem:v52+s23+$0x0], $0xffff  }
0x24c: {  	v7 =	vld.idx.msk [tilespmem:v7+s25+$0x0], $0xffff  }
0x24d: {  	v16 =	vld.idx.msk [tilespmem:v54+s23+$0x0], $0xffff  }
0x24e: {  	v11 =	vld.idx.msk [tilespmem:v11+s25+$0x0], $0xffff  }
0x24f: {  	v15 =	vld.idx.msk [tilespmem:v53+s23+$0x0], $0xffff;
	v12 =	vmul.f32 v8, v12;
	v13 =	vmul.f32 v9, v13  }
0x250: {  	v14 =	vmul.f32 v10, v14  }
0x251: {  	v8 =	vmul.f32 v12, v8;
	v9 =	vmul.f32 v13, v9  }
0x252: {  	v55 =	vmul.f32 v7, v16;
	v10 =	vmul.f32 v14, v10  }
0x253: {  	v8 =	vmul.f32 v8, v8;
	v9 =	vmul.f32 v9, v9  }
0x254: {  	v56 =	vmul.f32 v11, v15  }
0x255: {  	v7 =	vmul.f32 v55, v7;
	v8 =	vadd.f32 v9, v8;
	v9 =	vmul.f32 v10, v10;
	_ =	sdelay $0x1  }
0x256: {  	s31 =	simm.s32 $0x10;
	v7 =	vmul.f32 v7, v7;
	v8 =	vadd.f32 v9, v8;
	v9 =	vmul.f32 v56, v11  }
0x257: {  	v10 =	vmov s31  }
0x258: {  	v10 =	vmul.u32 $0x5, v10;
	v7 =	vadd.f32 v7, v8;
	v8 =	vmul.f32 v9, v9;
	_ =	sdelay $0x1  }
0x259: {  	v9 =	vbroadcast v10, $0x0;
	v7 =	vadd.f32 v8, v7;
	_ =	sdelay $0x1  }
0x25a: {  	v8 =	vadd.s32 v0, v9;
	v7 =	vmul.f32 $5.000000000e+00, v7  }
0x25b: {  	v10 =	vadd.s32 v2, v9  }
0x25c: {  	v11 =	vadd.s32 v3, v9;
	vm15 =	vlt.f32 v7, $2.500000000e-01  }
0x25d: {  	v57 =	vsel vm15, $0x1, v6  }
0x25e: {  	v7 =	vadd.s32 v5, v9;
	v9 =	vadd.s32 v4, v9;
	[tilespmem:s30+$0x0] =	vst v57  }
0x25f: {  	v12 =	vld.idx.msk [tilespmem:v8+s24+$0x0], $0xffff  }
0x260: {  	v58 =	vld.idx.msk [tilespmem:v10+s24+$0x0], $0xffff  }
0x261: {  	v59 =	vld.idx.msk [tilespmem:v11+s24+$0x0], $0xffff  }
0x262: {  	v11 =	vld.idx.msk [tilespmem:v11+s25+$0x0], $0xffff  }
0x263: {  	v61 =	vld.idx.msk [tilespmem:v9+s24+$0x0], $0xffff  }
0x264: {  	v8 =	vld.idx.msk [tilespmem:v8+s25+$0x0], $0xffff  }
0x265: {  	v60 =	vld.idx.msk [tilespmem:v7+s24+$0x0], $0xffff  }
0x266: {  	v10 =	vld.idx.msk [tilespmem:v10+s25+$0x0], $0xffff  }
0x267: {  	v12 =	vld.idx.msk [tilespmem:v12+s23+$0x0], $0xffff  }
0x268: {  	v13 =	vld.idx.msk [tilespmem:v58+s23+$0x0], $0xffff  }
0x269: {  	v14 =	vld.idx.msk [tilespmem:v59+s23+$0x0], $0xffff  }
0x26a: {  	v9 =	vld.idx.msk [tilespmem:v9+s25+$0x0], $0xffff  }
0x26b: {  	v16 =	vld.idx.msk [tilespmem:v61+s23+$0x0], $0xffff  }
0x26c: {  	v7 =	vld.idx.msk [tilespmem:v7+s25+$0x0], $0xffff  }
0x26d: {  	v15 =	vld.idx.msk [tilespmem:v60+s23+$0x0], $0xffff;
	v12 =	vmul.f32 v8, v12;
	v13 =	vmul.f32 v10, v13  }
0x26e: {  	v14 =	vmul.f32 v11, v14  }
0x26f: {  	v8 =	vmul.f32 v12, v8;
	v10 =	vmul.f32 v13, v10  }
0x270: {  	v11 =	vmul.f32 v14, v11;
	v62 =	vmul.f32 v9, v16  }
0x271: {  	v8 =	vmul.f32 v8, v8;
	v10 =	vmul.f32 v10, v10  }
0x272: {  	v63 =	vmul.f32 v7, v15  }
0x273: {  	v9 =	vmul.f32 v62, v9;
	v8 =	vadd.f32 v10, v8;
	v10 =	vmul.f32 v11, v11;
	_ =	sdelay $0x1  }
0x274: {  	s31 =	simm.s32 $0x20;
	v9 =	vmul.f32 v9, v9;
	v8 =	vadd.f32 v10, v8;
	v10 =	vmul.f32 v63, v7  }
0x275: {  	v7 =	vmov s31  }
0x276: {  	s31 =	simm.s32 $0x30;
	v7 =	vmul.u32 $0x5, v7;
	v8 =	vadd.f32 v9, v8;
	v9 =	vmul.f32 v10, v10  }
.LBB2_12:
0x277: {  	p0 =	sne.s32 s31, $0x3F0  }
0x278: {  	v7 =	vbroadcast v7, $0x0;
	v8 =	vadd.f32 v9, v8;
	_ =	sdelay $0x1  }
0x279: {  	v9 =	vadd.s32 v0, v7;
	v8 =	vmul.f32 $5.000000000e+00, v8  }
0x27a: {  	v10 =	vadd.s32 v2, v7  }
0x27b: {  	v11 =	vadd.s32 v3, v7;
	vm0 =	vlt.f32 v8, $2.500000000e-01  }
0x27c: {  	s30 =	sadd.s32 $0x10, s30;
	v8 =	vadd.s32 v5, v7;
	v12 =	vsel vm0, $0x1, v6  }
0x27d: {  	v7 =	vadd.s32 v4, v7;
	[tilespmem:s30+$0x0] =	vst v12  }
0x27e: {  	v12 =	vld.idx.msk [tilespmem:v9+s24+$0x0], $0xffff  }
0x27f: {  	v13 =	vld.idx.msk [tilespmem:v10+s24+$0x0], $0xffff  }
0x280: {  	v14 =	vld.idx.msk [tilespmem:v11+s24+$0x0], $0xffff  }
0x281: {  	v15 =	vld.idx.msk [tilespmem:v8+s24+$0x0], $0xffff  }
0x282: {  	v16 =	vld.idx.msk [tilespmem:v7+s24+$0x0], $0xffff  }
0x283: {  	v11 =	vld.idx.msk [tilespmem:v11+s25+$0x0], $0xffff  }
0x284: {  	v9 =	vld.idx.msk [tilespmem:v9+s25+$0x0], $0xffff  }
0x285: {  	v10 =	vld.idx.msk [tilespmem:v10+s25+$0x0], $0xffff  }
0x286: {  	v12 =	vld.idx.msk [tilespmem:v12+s23+$0x0], $0xffff  }
0x287: {  	v13 =	vld.idx.msk [tilespmem:v13+s23+$0x0], $0xffff  }
0x288: {  	v14 =	vld.idx.msk [tilespmem:v14+s23+$0x0], $0xffff  }
0x289: {  	v7 =	vld.idx.msk [tilespmem:v7+s25+$0x0], $0xffff  }
0x28a: {  	v16 =	vld.idx.msk [tilespmem:v16+s23+$0x0], $0xffff  }
0x28b: {  	v8 =	vld.idx.msk [tilespmem:v8+s25+$0x0], $0xffff  }
0x28c: {  	v15 =	vld.idx.msk [tilespmem:v15+s23+$0x0], $0xffff  }
0x28d: {  	v12 =	vmul.f32 v9, v12;
	v13 =	vmul.f32 v10, v13  }
0x28e: {  	v14 =	vmul.f32 v11, v14  }
0x28f: {  	v9 =	vmul.f32 v12, v9;
	v10 =	vmul.f32 v13, v10  }
0x290: {  	v11 =	vmul.f32 v14, v11;
	v12 =	vmul.f32 v7, v16  }
0x291: {  	v9 =	vmul.f32 v9, v9;
	v10 =	vmul.f32 v10, v10  }
0x292: {  	v13 =	vmul.f32 v8, v15  }
.Ltmp5:
0x293: {  	v7 =	vmul.f32 v12, v7;
	v9 =	vadd.f32 v10, v9;
	v10 =	vmul.f32 v11, v11;
	(pc) =	sbr.rel @p0 .LBB2_12-.Ltmp5, $4  }
0x294: {  	_ = 	snop  }
0x295: {  	v11 =	vmul.f32 v13, v8;
	v9 =	vadd.f32 v10, v9;
	v10 =	vmul.f32 v7, v7  }
0x296: {  	v7 =	vmov s31  }
0x297: {  	s31 =	sadd.s32 $0x10, s31;
	v7 =	vmul.u32 $0x5, v7;
	v8 =	vadd.f32 v10, v9;
	v9 =	vmul.f32 v11, v11  }
0x298: {  	_ = 	snop  }
0x299: {  	v7 =	vbroadcast v7, $0x0;
	v8 =	vadd.f32 v9, v8;
	_ =	sdelay $0x1  }
0x29a: {  	v60 =	vadd.s32 v0, v7;
	v8 =	vmul.f32 $5.000000000e+00, v8  }
0x29b: {  	v10 =	vadd.s32 v2, v7  }
0x29c: {  	v11 =	vadd.s32 v3, v7;
	vm0 =	vlt.f32 v8, $2.500000000e-01  }
0x29d: {  	s30 =	sadd.s32 $0x10, s30;
	v12 =	vsel vm0, $0x1, v6  }
0x29e: {  	v8 =	vadd.s32 v5, v7;
	v7 =	vadd.s32 v4, v7;
	[tilespmem:s30+$0x0] =	vst v12  }
0x29f: {  	v12 =	vld.idx.msk [tilespmem:v60+s24+$0x0], $0xffff  }
0x2a0: {  	v13 =	vld.idx.msk [tilespmem:v10+s24+$0x0], $0xffff  }
0x2a1: {  	v14 =	vld.idx.msk [tilespmem:v11+s24+$0x0], $0xffff  }
0x2a2: {  	v11 =	vld.idx.msk [tilespmem:v11+s25+$0x0], $0xffff  }
0x2a3: {  	v16 =	vld.idx.msk [tilespmem:v7+s24+$0x0], $0xffff  }
0x2a4: {  	v9 =	vld.idx.msk [tilespmem:v60+s25+$0x0], $0xffff  }
0x2a5: {  	v15 =	vld.idx.msk [tilespmem:v8+s24+$0x0], $0xffff  }
0x2a6: {  	v10 =	vld.idx.msk [tilespmem:v10+s25+$0x0], $0xffff  }
0x2a7: {  	v12 =	vld.idx.msk [tilespmem:v12+s23+$0x0], $0xffff  }
0x2a8: {  	v13 =	vld.idx.msk [tilespmem:v13+s23+$0x0], $0xffff  }
0x2a9: {  	v14 =	vld.idx.msk [tilespmem:v14+s23+$0x0], $0xffff  }
0x2aa: {  	v7 =	vld.idx.msk [tilespmem:v7+s25+$0x0], $0xffff  }
0x2ab: {  	v16 =	vld.idx.msk [tilespmem:v16+s23+$0x0], $0xffff  }
0x2ac: {  	v8 =	vld.idx.msk [tilespmem:v8+s25+$0x0], $0xffff  }
0x2ad: {  	v15 =	vld.idx.msk [tilespmem:v15+s23+$0x0], $0xffff;
	v12 =	vmul.f32 v9, v12;
	v13 =	vmul.f32 v10, v13  }
0x2ae: {  	v14 =	vmul.f32 v11, v14  }
0x2af: {  	v9 =	vmul.f32 v12, v9;
	v10 =	vmul.f32 v13, v10  }
0x2b0: {  	v11 =	vmul.f32 v14, v11;
	v61 =	vmul.f32 v7, v16  }
0x2b1: {  	v9 =	vmul.f32 v9, v9;
	v10 =	vmul.f32 v10, v10  }
0x2b2: {  	v62 =	vmul.f32 v8, v15  }
0x2b3: {  	v63 =	vmul.f32 v11, v11;
	v7 =	vmul.f32 v61, v7;
	v9 =	vadd.f32 v10, v9;
	_ =	sdelay $0x1  }
0x2b4: {  	v8 =	vmul.f32 v62, v8;
	v7 =	vmul.f32 v7, v7;
	v9 =	vadd.f32 v63, v9;
	_ =	sdelay $0x1  }
0x2b5: {  	v8 =	vmul.f32 v8, v8;
	v7 =	vadd.f32 v7, v9;
	_ =	sdelay $0x1  }
0x2b6: {  	v7 =	vadd.f32 v8, v7;
	_ =	sdelay $0x1  }
0x2b7: {  	v7 =	vmul.f32 $5.000000000e+00, v7;
	_ =	sdelay $0x1  }
0x2b8: {  	s29 =	sadd.s32 $0x1, s29;
	vm15 =	vlt.f32 v7, $2.500000000e-01  }
0x2b9: {  	p0 =	sne.s32 s29, s21;
	s30 =	sadd.s32 $0x10, s30;
	v7 =	vsel vm15, $0x1, v6  }
.Ltmp6:
0x2ba: {  	[tilespmem:s30+$0x0] =	vst v7;
	(pc) =	sbr.rel @p0 .LBB2_1-.Ltmp6, $4  }
0x2bb: {  	[hbm4b:s20+s3] =	stream.linear.scatter [tilespmem:s28], [sflag:$0x2], $0x400, $0x38;
	[tilespmem:$0x1FC70] =	vst v63  }
0x2bc: {  	_ =	swait.ge [sflag:s22], $0x400  }
0x2bd: {  	[sflag:s22] =	ssyncset.done $0x0  }
0x2be: {  	[sflag:s22] =	ssyncadd.s32 $0xFFFFFC00  }
0x2bf: {  	_ =	sfence.sel $0x180000  }
0x2c0: {  	[bflag:$0x0] =	sbarrier.arrive $0xFFFF  }
0x2c1: {  	p0 =	sne.s32 s0, $0x0;
	_ =	strace $0x90000047  }
0x2c2: {  	s0 =	sadd.s32 @!p0 $0x100000, s1;
	[bflag:$0x2] =	sbarrier.arrive $0xFFFF  }
0x2c3: {  	[sflag:s0] =	ssyncadd.tile.s32 @!p0 $0x1;
	_ =	shalt  }
.Lfunc_end2:
_tile_overlayer_lowered:
.L_overlay_start_2:
0x2c4: {  	(tag) =	ssettag $0x2  }
0x2c5: {  	s0 =	rddreg [dreg:$0x0];
	s2 =	stileid.u32  }
0x2c6: {  	s1 =	rddreg [dreg:$0x1];
	p0 =	sne.s32 s2, $0x0  }
0x2c7: {  	s3 =	rddreg [dreg:$0x2];
	[bflag:$0x3] =	sbarrier.arrive $0xFFFF;
	s2 =	simm.s32 @!p0 $0x1C02  }
0x2c8: {  	[timem:s3], [sflag:s2] =	dma.local @!p0 [hbm:s0], s1  }
0x2c9: {  	s0 =	simm.s32 @!p0 $0x2  }
0x2ca: {  	_ =	swait.ge @!p0 [sflag:s0], s1  }
0x2cb: {  	s1 =	ssub.s32 @!p0 $0x0, s1;
	[sflag:s0] =	ssyncset.done @!p0 $0x0  }
0x2cc: {  	[sflag:s0] =	ssyncadd.s32 @!p0 s1  }
0x2cd: {  	[bflag:$0x3] =	sbarrier.arrive $0xFFFF  }
0x2ce: {  	_ =	shalt  }

</sc_bundles>
